<compile_context>
chip_gen: v7x
topology: tpu7x:2x2x1
jax: 0.10.2.dev20260603
libtpu: 0.0.44.dev20260713+nightly
codegen_flags: <defaults>
</compile_context>

<pallas_src>
import functools

import jax
import jax.numpy as jnp
from jax import lax
from jax.experimental import pallas as pl
from jax.experimental.pallas import tpu as pltpu
from jax.experimental.pallas import tpu_sc as plsc

_VOCAB = 100000
_EMB = 200
_HID = 32
_B = 1024
_L = 200

_N_TOK = _B * _L
_CH = 320
_V_BLK = 10000


def _rne16(bits):
    return bits + 0x7FFF + ((bits >> 16) & 1)


def _proj_kernel(emb_ref, w_ref, o_ref):
    x = emb_ref[...]
    g = jnp.dot(x, w_ref[...], preferred_element_type=jnp.float32)
    rf = _rne16(lax.bitcast_convert_type(g[:, 0:128], jnp.int32))
    rb = _rne16(lax.bitcast_convert_type(g[:, 128:256], jnp.int32))
    o_ref[...] = ((rf >> 16) & 0xFFFF) | ((rb >> 16) << 16)


def _project(emb, wf, wb):
    w_cat = jnp.concatenate([wf, wb], 1).astype(jnp.bfloat16)
    return pl.pallas_call(
        _proj_kernel,
        grid=(_VOCAB // _V_BLK,),
        in_specs=[
            pl.BlockSpec((_V_BLK, _EMB), lambda i: (i, 0)),
            pl.BlockSpec(index_map=lambda i: (0, 0)),
        ],
        out_specs=pl.BlockSpec((_V_BLK, 128), lambda i: (i, 0)),
        out_shape=jax.ShapeDtypeStruct((_VOCAB, 128), jnp.int32),
    )(emb, w_cat)


def _gather_kernel(table_hbm, idx_hbm, out_hbm, idx_v, buf0, buf1,
                   sem0, sem1, *, nch):
    nc = plsc.get_sparse_core_info().num_cores
    wid = lax.axis_index("s") * nc + lax.axis_index("c")
    base_row = wid * nch * _CH
    pltpu.sync_copy(idx_hbm.at[pl.ds(wid * nch, nch)], idx_v)

    pltpu.async_copy(table_hbm.at[idx_v.at[0, 0]], buf0, sem0)

    def pair(j, carry):
        j0 = 2 * j
        pltpu.make_async_copy(table_hbm.at[idx_v.at[j0, 0]], buf0, sem0).wait()
        pltpu.async_copy(table_hbm.at[idx_v.at[j0 + 1, 0]], buf1, sem1)
        off0 = pl.multiple_of(base_row + j0 * _CH, _CH)
        pltpu.sync_copy(buf0, out_hbm.at[pl.ds(off0, _CH)])
        pltpu.make_async_copy(
            table_hbm.at[idx_v.at[j0 + 1, 0]], buf1, sem1).wait()

        @pl.when(j0 + 2 < nch)
        def _prefetch():
            pltpu.async_copy(table_hbm.at[idx_v.at[j0 + 2, 0]], buf0, sem0)

        off1 = pl.multiple_of(base_row + (j0 + 1) * _CH, _CH)
        pltpu.sync_copy(buf1, out_hbm.at[pl.ds(off1, _CH)])
        return carry

    lax.fori_loop(0, nch // 2, pair, 0)


def _sc_gather(table_i32, ids_flat):
    info = plsc.get_sparse_core_info()
    nw = info.num_cores * info.num_subcores
    nch = _N_TOK // (nw * _CH)
    idx3d = ids_flat.reshape(_N_TOK // _CH, 1, _CH)
    mesh = plsc.VectorSubcoreMesh(core_axis_name="c", subcore_axis_name="s")
    f = pl.kernel(
        functools.partial(_gather_kernel, nch=nch),
        out_type=jax.ShapeDtypeStruct((_N_TOK, 128), jnp.int32),
        mesh=mesh,
        scratch_types=[
            pltpu.VMEM((nch, 1, _CH), jnp.int32),
            pltpu.VMEM((_CH, 128), jnp.int32),
            pltpu.VMEM((_CH, 128), jnp.int32),
            pltpu.SemaphoreType.DMA,
            pltpu.SemaphoreType.DMA,
        ],
    )
    return f(table_i32, idx3d)


_NS = 4


def _scan_kernel(gif_ref, gib_ref, whh, brz, bin_, bhn, wout_t, bout_ref,
                 o_ref, hc):
    t = pl.program_id(0)

    @pl.when(t == 0)
    def _init():
        hc[...] = jnp.zeros_like(hc)

    lane = lax.broadcasted_iota(jnp.int32, (_B, 128), 1)
    h = hc[...]
    for i in range(_NS):
        wf = gif_ref[i]
        wb = gib_ref[_NS - 1 - i]
        f_tile = lax.bitcast_convert_type(wf << 16, jnp.float32)
        b_tile = lax.bitcast_convert_type((wb >> 16) << 16, jnp.float32)
        a_rz = jnp.where((lane & 32) == 0, f_tile, b_tile)
        nsel = jnp.where(lane >= 64, f_tile, b_tile)
        nt = pltpu.roll(nsel, 32, 1)

        gh = jnp.dot(h, whh[...], preferred_element_type=jnp.float32)
        s = jax.nn.sigmoid(a_rz + gh[:, 0:128] + brz[...])
        r = s[:, 0:64]
        z = s[:, 64:128]
        narg = nt[:, 0:64] + bin_[...] + r * (gh[:, 128:192] + bhn[...])
        n = jnp.tanh(narg)
        h = (1.0 - z) * n + z * h
    hc[...] = h

    @pl.when(t == _L // _NS - 1)
    def _head():
        s_v = h[:, 0:_HID] + h[:, _HID:2 * _HID]
        raw = jnp.dot(s_v, wout_t[...], preferred_element_type=jnp.float32)
        o_ref[...] = jax.nn.sigmoid(raw + bout_ref[...])


def _tc_scan(gi_all, whh_cat, brz, bin_, bhn, wout_t, bout2):
    const = pl.BlockSpec(index_map=lambda t: (0, 0))
    ng = _L // _NS
    return pl.pallas_call(
        _scan_kernel,
        grid=(ng,),
        in_specs=[
            pl.BlockSpec((_NS, _B, 128), lambda t: (t, 0, 0)),
            pl.BlockSpec((_NS, _B, 128), lambda t: (ng - 1 - t, 0, 0)),
            const, const, const, const, const, const,
        ],
        out_specs=pl.BlockSpec((_B, 1), lambda t: (0, 0)),
        out_shape=jax.ShapeDtypeStruct((_B, 1), jnp.float32),
        scratch_shapes=[
            pltpu.VMEM((_B, 2 * _HID), jnp.float32),
        ],
    )(gi_all, gi_all, whh_cat, brz, bin_, bhn, wout_t, bout2)


def kernel(sentence_token, emb, Wih_f, Whh_f, bih_f, bhh_f,
           Wih_b, Whh_b, bih_b, bhh_b, Wout, bout):
    h3 = 3 * _HID
    ids_flat = jnp.transpose(sentence_token).reshape(_N_TOK).astype(jnp.int32)

    wfT = jnp.transpose(Wih_f)
    wbT = jnp.transpose(Wih_b)
    zc = jnp.zeros((_EMB, _HID), dtype=jnp.float32)
    wf = jnp.concatenate(
        [wfT[:, 0:_HID], zc, wfT[:, _HID:2 * _HID], wfT[:, 2 * _HID:h3]], 1)
    wb = jnp.concatenate(
        [wbT[:, 2 * _HID:h3], wbT[:, 0:_HID], zc, wbT[:, _HID:2 * _HID]], 1)

    table_i32 = _project(emb.astype(jnp.bfloat16), wf, wb)
    gi_all = _sc_gather(table_i32, ids_flat).reshape(_L, _B, 128)

    hfT = jnp.transpose(Whh_f)
    hbT = jnp.transpose(Whh_b)
    zr = jnp.zeros((_HID, _HID), dtype=jnp.float32)
    top = jnp.concatenate(
        [hfT[:, 0:_HID], zr, hfT[:, _HID:2 * _HID], zr,
         hfT[:, 2 * _HID:h3], zr, zr, zr], 1)
    bot = jnp.concatenate(
        [zr, hbT[:, 0:_HID], zr, hbT[:, _HID:2 * _HID],
         zr, hbT[:, 2 * _HID:h3], zr, zr], 1)
    whh_cat = jnp.concatenate([top, bot], 0)

    brz = jnp.concatenate(
        [bih_f[0:_HID] + bhh_f[0:_HID], bih_b[0:_HID] + bhh_b[0:_HID],
         bih_f[_HID:2 * _HID] + bhh_f[_HID:2 * _HID],
         bih_b[_HID:2 * _HID] + bhh_b[_HID:2 * _HID]])[None, :]
    bin_ = jnp.concatenate([bih_f[2 * _HID:h3], bih_b[2 * _HID:h3]])[None, :]
    bhn = jnp.concatenate([bhh_f[2 * _HID:h3], bhh_b[2 * _HID:h3]])[None, :]

    out = _tc_scan(gi_all, whh_cat, brz, bin_, bhn,
                   jnp.transpose(Wout), bout[None, :])
    return out

# --- scband reference (transcript-rebuilt; emitter-appended) ---
"""Pipeline reference for scband-scan-net-13271448945355 (READ-ONLY COPY).

The authoritative reference and input builder live on the scoring server;
editing this copy changes nothing except your own understanding.
"""

import jax, jax.numpy as jnp
import numpy as np

VOCAB = 100000
EMB = 200
HID = 32
B = 1024
L = 200


def setup_inputs(seed: int = 0) -> dict:
    key = jax.random.key(seed)
    ks = jax.random.split(key, 8)

    def w(k, shape):
        return (jax.random.normal(k, shape, dtype=jnp.float32) * 0.05)

    inp = {
        "sentence_token": jax.random.randint(ks[0], (B, L), 0, VOCAB),
        "emb": jax.random.normal(ks[1], (VOCAB, EMB), dtype=jnp.float32) * 0.1,
        "Wih_f": w(ks[2], (3 * HID, EMB)),
        "Whh_f": w(ks[3], (3 * HID, HID)),
        "bih_f": jnp.zeros((3 * HID,), dtype=jnp.float32),
        "bhh_f": jnp.zeros((3 * HID,), dtype=jnp.float32),
        "Wih_b": w(ks[4], (3 * HID, EMB)),
        "Whh_b": w(ks[5], (3 * HID, HID)),
        "bih_b": jnp.zeros((3 * HID,), dtype=jnp.float32),
        "bhh_b": jnp.zeros((3 * HID,), dtype=jnp.float32),
        "Wout": w(ks[6], (1, HID)),
        "bout": jnp.zeros((1,), dtype=jnp.float32),
    }
    return inp


def _gru_scan(xs, Wih, Whh, bih, bhh):
    # xs: [L, B, E]; PyTorch GRU gate convention (r, z, n)
    h0 = jnp.zeros((xs.shape[1], Wih.shape[0] // 3), dtype=xs.dtype)

    def step(h, x_t):
        gi = x_t @ Wih.T + bih
        gh = h @ Whh.T + bhh
        i_r, i_z, i_n = jnp.split(gi, 3, axis=-1)
        h_r, h_z, h_n = jnp.split(gh, 3, axis=-1)
        r = jax.nn.sigmoid(i_r + h_r)
        z = jax.nn.sigmoid(i_z + h_z)
        n = jnp.tanh(i_n + r * h_n)
        h_new = (1.0 - z) * n + z * h
        return h_new, None

    hT, _ = jax.lax.scan(step, h0, xs)
    return hT


def reference(sentence_token, emb, Wih_f, Whh_f, bih_f, bhh_f, Wih_b, Whh_b, bih_b, bhh_b, Wout, bout):
    # frozen embedding lookup (sen_encoder.embedding.requires_grad = False)
    x = jnp.take(emb, sentence_token, axis=0)          # [B, L, E]
    xs = jnp.transpose(x, (1, 0, 2))                   # [L, B, E]
    h_fwd = _gru_scan(xs, Wih_f, Whh_f, bih_f, bhh_f)  # [B, HID]
    h_bwd = _gru_scan(xs[::-1], Wih_b, Whh_b, bih_b, bhh_b)
    s_v = h_fwd + h_bwd                                # bidirectional summed -> 32-dim
    raw_out = s_v @ Wout.T + bout                      # Linear(32, 1)
    return jax.nn.sigmoid(raw_out)                     # [B, 1]

if __name__ == "__main__":
    import jax
    _d = setup_inputs()
    print(jax.jit(kernel)(*tuple(_d.values())))

</pallas_src>

<mosaic_0001>
#map = affine_map<(d0, d1) -> (0, 0)>
#map1 = affine_map<(d0, d1) -> (0, 0, 0)>
module attributes {stable_mosaic.version = 14 : i64} {
  func.func @_gather_kernel(%arg0: i32, %arg1: i32, %arg2: memref<100000x128xi32, #tpu.memory_space<hbm>>, %arg3: memref<640x1x320xi32, #tpu.memory_space<hbm>>, %arg4: memref<204800x128xi32, #tpu.memory_space<hbm>>, %arg5: memref<20x1x320xi32, #tpu.memory_space<vmem>>, %arg6: memref<320x128xi32, #tpu.memory_space<vmem>>, %arg7: memref<320x128xi32, #tpu.memory_space<vmem>>, %arg8: memref<!tpu.dma_semaphore, #tpu.memory_space<semaphore_mem>>, %arg9: memref<!tpu.dma_semaphore, #tpu.memory_space<semaphore_mem>>) attributes {dimension_semantics = [#tpu.dimension_semantics<core_parallel>, #tpu.dimension_semantics<subcore_parallel>], iteration_bounds = array<i64: 2, 16>, scalar_prefetch = 0 : i64, scratch_operands = 5 : i64, tpu.core_type = #tpu.core_type<sc_vector_subcore>, window_params = [{transform_indices = #map}, {transform_indices = #map1}, {transform_indices = #map}]} {
    %mul3A = arith.constant 2 : i32
    %mul3A_0 = arith.muli %arg1, %mul3A : i32
    %add3A = arith.addi %mul3A_0, %arg0 : i32
    %mul3A_1 = arith.constant 20 : i32
    %mul3A_2 = arith.muli %add3A, %mul3A_1 : i32
    %mul3A_3 = arith.constant 320 : i32
    %mul3A_4 = arith.muli %mul3A_2, %mul3A_3 : i32
    %mul3A_5 = arith.constant 20 : i32
    %mul3A_6 = arith.muli %add3A, %mul3A_5 : i32
    "tpu.region"() ({
      %run_scoped3A = tpu.sem_alloc : memref<!tpu.dma_semaphore, #tpu.memory_space<semaphore_mem>>
      %dma_start3A_19 = arith.constant 0 : i32
      %dma_start3A_20 = arith.constant 0 : i32
      %dma_start3A_21 = tpu.memref_slice %arg3[%mul3A_6, %dma_start3A_19, %dma_start3A_20] : memref<640x1x320xi32, #tpu.memory_space<hbm>> -> memref<20x1x320xi32, #tpu.memory_space<hbm>>
      %dma_start3A_22 = arith.constant 0 : i32
      %dma_start3A_23 = arith.constant 0 : i32
      %dma_start3A_24 = tpu.memref_slice %arg3[%mul3A_6, %dma_start3A_22, %dma_start3A_23] : memref<640x1x320xi32, #tpu.memory_space<hbm>> -> memref<20x1x320xi32, #tpu.memory_space<hbm>>
      tpu.enqueue_dma source(%dma_start3A_24 : memref<20x1x320xi32, #tpu.memory_space<hbm>>) target(%arg5 : memref<20x1x320xi32, #tpu.memory_space<vmem>>) target_semaphore(%run_scoped3A : memref<!tpu.dma_semaphore, #tpu.memory_space<semaphore_mem>>)
      %dma_wait3A = arith.constant 0 : i32
      %dma_wait3A_25 = arith.constant 0 : i32
      %dma_wait3A_26 = tpu.memref_slice %arg3[%mul3A_6, %dma_wait3A, %dma_wait3A_25] : memref<640x1x320xi32, #tpu.memory_space<hbm>> -> memref<20x1x320xi32, #tpu.memory_space<hbm>>
      %dma_wait3A_27 = arith.constant 0 : i32
      %dma_wait3A_28 = arith.constant 0 : i32
      %dma_wait3A_29 = tpu.memref_slice %arg3[%mul3A_6, %dma_wait3A_27, %dma_wait3A_28] : memref<640x1x320xi32, #tpu.memory_space<hbm>> -> memref<20x1x320xi32, #tpu.memory_space<hbm>>
      tpu.wait_dma2 semaphore(%run_scoped3A : memref<!tpu.dma_semaphore, #tpu.memory_space<semaphore_mem>>) src(%dma_wait3A_29 : memref<20x1x320xi32, #tpu.memory_space<hbm>>) dst(%arg5 : memref<20x1x320xi32, #tpu.memory_space<vmem>>)
      tpu.yield
    }) : () -> ()
    %dma_start3A = arith.constant 0 : i32
    %dma_start3A_7 = arith.constant 0 : i32
    %dma_start3A_8 = arith.constant 0 : i32
    %dma_start3A_9 = tpu.memref_slice %arg5[%dma_start3A, %dma_start3A_7, %dma_start3A_8] : memref<20x1x320xi32, #tpu.memory_space<vmem>> -> memref<1x1x320xi32, #tpu.memory_space<vmem>>
    %dma_start3A_10 = tpu.memref_squeeze %dma_start3A_9 : memref<1x1x320xi32, #tpu.memory_space<vmem>> -> memref<320xi32, #tpu.memory_space<vmem>>
    %dma_start3A_11 = arith.constant 0 : i32
    %dma_start3A_12 = arith.constant 0 : i32
    %dma_start3A_13 = tpu.memref_slice %arg2[%dma_start3A_11, %dma_start3A_12] : memref<100000x128xi32, #tpu.memory_space<hbm>> -> memref<100000x128xi32, #tpu.memory_space<hbm>>
    tpu.enqueue_indirect_dma source(%dma_start3A_13 : memref<100000x128xi32, #tpu.memory_space<hbm>>) target(%arg6 : memref<320x128xi32, #tpu.memory_space<vmem>>) offsets(%dma_start3A_10 : memref<320xi32, #tpu.memory_space<vmem>>) semaphore(%arg8 : memref<!tpu.dma_semaphore, #tpu.memory_space<semaphore_mem>>)
    %scan3A = arith.constant 0 : i32
    %scan3A_14 = arith.constant 0 : i32
    %scan3A_15 = arith.constant 10 : i32
    %scan3A_16 = arith.addi %scan3A_14, %scan3A_15 : i32
    %scan3A_17 = arith.constant 1 : i32
    scf.for %scan3A_19 = %scan3A_14 to %scan3A_16 step %scan3A_17  : i32 {
      %mul3A_20 = arith.constant 2 : i32
      %mul3A_21 = arith.muli %mul3A_20, %scan3A_19 : i32
      %dma_wait3A = arith.constant 0 : i32
      %dma_wait3A_22 = arith.constant 0 : i32
      %dma_wait3A_23 = tpu.memref_slice %arg5[%mul3A_21, %dma_wait3A, %dma_wait3A_22] : memref<20x1x320xi32, #tpu.memory_space<vmem>> -> memref<1x1x320xi32, #tpu.memory_space<vmem>>
      %dma_wait3A_24 = tpu.memref_squeeze %dma_wait3A_23 : memref<1x1x320xi32, #tpu.memory_space<vmem>> -> memref<320xi32, #tpu.memory_space<vmem>>
      %dma_wait3A_25 = arith.constant 0 : i32
      %dma_wait3A_26 = arith.constant 0 : i32
      %dma_wait3A_27 = tpu.memref_slice %arg2[%dma_wait3A_25, %dma_wait3A_26] : memref<100000x128xi32, #tpu.memory_space<hbm>> -> memref<100000x128xi32, #tpu.memory_space<hbm>>
      tpu.wait_indirect_dma semaphore(%arg8 : memref<!tpu.dma_semaphore, #tpu.memory_space<semaphore_mem>>) src(%dma_wait3A_27 : memref<100000x128xi32, #tpu.memory_space<hbm>>) dst(%arg6 : memref<320x128xi32, #tpu.memory_space<vmem>>)
      %add3A_28 = arith.constant 1 : i32
      %add3A_29 = arith.addi %mul3A_21, %add3A_28 : i32
      %dma_start3A_30 = arith.constant 0 : i32
      %dma_start3A_31 = arith.constant 0 : i32
      %dma_start3A_32 = tpu.memref_slice %arg5[%add3A_29, %dma_start3A_30, %dma_start3A_31] : memref<20x1x320xi32, #tpu.memory_space<vmem>> -> memref<1x1x320xi32, #tpu.memory_space<vmem>>
      %dma_start3A_33 = tpu.memref_squeeze %dma_start3A_32 : memref<1x1x320xi32, #tpu.memory_space<vmem>> -> memref<320xi32, #tpu.memory_space<vmem>>
      %dma_start3A_34 = arith.constant 0 : i32
      %dma_start3A_35 = arith.constant 0 : i32
      %dma_start3A_36 = tpu.memref_slice %arg2[%dma_start3A_34, %dma_start3A_35] : memref<100000x128xi32, #tpu.memory_space<hbm>> -> memref<100000x128xi32, #tpu.memory_space<hbm>>
      tpu.enqueue_indirect_dma source(%dma_start3A_36 : memref<100000x128xi32, #tpu.memory_space<hbm>>) target(%arg7 : memref<320x128xi32, #tpu.memory_space<vmem>>) offsets(%dma_start3A_33 : memref<320xi32, #tpu.memory_space<vmem>>) semaphore(%arg9 : memref<!tpu.dma_semaphore, #tpu.memory_space<semaphore_mem>>)
      %mul3A_37 = arith.constant 320 : i32
      %mul3A_38 = arith.muli %mul3A_21, %mul3A_37 : i32
      %add3A_39 = arith.addi %mul3A_4, %mul3A_38 : i32
      %multiple_of3A = tpu.assume_multiple %add3A_39, 320 : i32
      "tpu.region"() ({
        %run_scoped3A = tpu.sem_alloc : memref<!tpu.dma_semaphore, #tpu.memory_space<semaphore_mem>>
        %dma_start3A_59 = arith.constant 0 : i32
        %dma_start3A_60 = tpu.memref_slice %arg4[%multiple_of3A, %dma_start3A_59] : memref<204800x128xi32, #tpu.memory_space<hbm>> -> memref<320x128xi32, #tpu.memory_space<hbm>>
        %dma_start3A_61 = arith.constant 0 : i32
        %dma_start3A_62 = tpu.memref_slice %arg4[%multiple_of3A, %dma_start3A_61] : memref<204800x128xi32, #tpu.memory_space<hbm>> -> memref<320x128xi32, #tpu.memory_space<hbm>>
        tpu.enqueue_dma source(%arg6 : memref<320x128xi32, #tpu.memory_space<vmem>>) target(%dma_start3A_62 : memref<320x128xi32, #tpu.memory_space<hbm>>) target_semaphore(%run_scoped3A : memref<!tpu.dma_semaphore, #tpu.memory_space<semaphore_mem>>)
        %dma_wait3A_63 = arith.constant 0 : i32
        %dma_wait3A_64 = tpu.memref_slice %arg4[%multiple_of3A, %dma_wait3A_63] : memref<204800x128xi32, #tpu.memory_space<hbm>> -> memref<320x128xi32, #tpu.memory_space<hbm>>
        %dma_wait3A_65 = arith.constant 0 : i32
        %dma_wait3A_66 = tpu.memref_slice %arg4[%multiple_of3A, %dma_wait3A_65] : memref<204800x128xi32, #tpu.memory_space<hbm>> -> memref<320x128xi32, #tpu.memory_space<hbm>>
        tpu.wait_dma2 semaphore(%run_scoped3A : memref<!tpu.dma_semaphore, #tpu.memory_space<semaphore_mem>>) src(%arg6 : memref<320x128xi32, #tpu.memory_space<vmem>>) dst(%dma_wait3A_66 : memref<320x128xi32, #tpu.memory_space<hbm>>)
        tpu.yield
      }) : () -> ()
      %add3A_40 = arith.constant 1 : i32
      %add3A_41 = arith.addi %mul3A_21, %add3A_40 : i32
      %dma_wait3A_42 = arith.constant 0 : i32
      %dma_wait3A_43 = arith.constant 0 : i32
      %dma_wait3A_44 = tpu.memref_slice %arg5[%add3A_41, %dma_wait3A_42, %dma_wait3A_43] : memref<20x1x320xi32, #tpu.memory_space<vmem>> -> memref<1x1x320xi32, #tpu.memory_space<vmem>>
      %dma_wait3A_45 = tpu.memref_squeeze %dma_wait3A_44 : memref<1x1x320xi32, #tpu.memory_space<vmem>> -> memref<320xi32, #tpu.memory_space<vmem>>
      %dma_wait3A_46 = arith.constant 0 : i32
      %dma_wait3A_47 = arith.constant 0 : i32
      %dma_wait3A_48 = tpu.memref_slice %arg2[%dma_wait3A_46, %dma_wait3A_47] : memref<100000x128xi32, #tpu.memory_space<hbm>> -> memref<100000x128xi32, #tpu.memory_space<hbm>>
      tpu.wait_indirect_dma semaphore(%arg9 : memref<!tpu.dma_semaphore, #tpu.memory_space<semaphore_mem>>) src(%dma_wait3A_48 : memref<100000x128xi32, #tpu.memory_space<hbm>>) dst(%arg7 : memref<320x128xi32, #tpu.memory_space<vmem>>)
      %add3A_49 = arith.constant 2 : i32
      %add3A_50 = arith.addi %mul3A_21, %add3A_49 : i32
      %lt3A = arith.constant 20 : i32
      %lt3A_51 = arith.cmpi slt, %add3A_50, %lt3A : i32
      %convert_element_type3A = arith.extui %lt3A_51 : i1 to i32
      %cond3A = arith.constant 0 : i32
      %cond3A_52 = arith.cmpi ne, %convert_element_type3A, %cond3A : i32
      scf.if %cond3A_52 {
        %add3A_59 = arith.constant 2 : i32
        %add3A_60 = arith.addi %mul3A_21, %add3A_59 : i32
        %dma_start3A_61 = arith.constant 0 : i32
        %dma_start3A_62 = arith.constant 0 : i32
        %dma_start3A_63 = tpu.memref_slice %arg5[%add3A_60, %dma_start3A_61, %dma_start3A_62] : memref<20x1x320xi32, #tpu.memory_space<vmem>> -> memref<1x1x320xi32, #tpu.memory_space<vmem>>
        %dma_start3A_64 = tpu.memref_squeeze %dma_start3A_63 : memref<1x1x320xi32, #tpu.memory_space<vmem>> -> memref<320xi32, #tpu.memory_space<vmem>>
        %dma_start3A_65 = arith.constant 0 : i32
        %dma_start3A_66 = arith.constant 0 : i32
        %dma_start3A_67 = tpu.memref_slice %arg2[%dma_start3A_65, %dma_start3A_66] : memref<100000x128xi32, #tpu.memory_space<hbm>> -> memref<100000x128xi32, #tpu.memory_space<hbm>>
        tpu.enqueue_indirect_dma source(%dma_start3A_67 : memref<100000x128xi32, #tpu.memory_space<hbm>>) target(%arg6 : memref<320x128xi32, #tpu.memory_space<vmem>>) offsets(%dma_start3A_64 : memref<320xi32, #tpu.memory_space<vmem>>) semaphore(%arg8 : memref<!tpu.dma_semaphore, #tpu.memory_space<semaphore_mem>>)
      } else {
      }
      %add3A_53 = arith.constant 1 : i32
      %add3A_54 = arith.addi %mul3A_21, %add3A_53 : i32
      %mul3A_55 = arith.constant 320 : i32
      %mul3A_56 = arith.muli %add3A_54, %mul3A_55 : i32
      %add3A_57 = arith.addi %mul3A_4, %mul3A_56 : i32
      %multiple_of3A_58 = tpu.assume_multiple %add3A_57, 320 : i32
      "tpu.region"() ({
        %run_scoped3A = tpu.sem_alloc : memref<!tpu.dma_semaphore, #tpu.memory_space<semaphore_mem>>
        %dma_start3A_59 = arith.constant 0 : i32
        %dma_start3A_60 = tpu.memref_slice %arg4[%multiple_of3A_58, %dma_start3A_59] : memref<204800x128xi32, #tpu.memory_space<hbm>> -> memref<320x128xi32, #tpu.memory_space<hbm>>
        %dma_start3A_61 = arith.constant 0 : i32
        %dma_start3A_62 = tpu.memref_slice %arg4[%multiple_of3A_58, %dma_start3A_61] : memref<204800x128xi32, #tpu.memory_space<hbm>> -> memref<320x128xi32, #tpu.memory_space<hbm>>
        tpu.enqueue_dma source(%arg7 : memref<320x128xi32, #tpu.memory_space<vmem>>) target(%dma_start3A_62 : memref<320x128xi32, #tpu.memory_space<hbm>>) target_semaphore(%run_scoped3A : memref<!tpu.dma_semaphore, #tpu.memory_space<semaphore_mem>>)
        %dma_wait3A_63 = arith.constant 0 : i32
        %dma_wait3A_64 = tpu.memref_slice %arg4[%multiple_of3A_58, %dma_wait3A_63] : memref<204800x128xi32, #tpu.memory_space<hbm>> -> memref<320x128xi32, #tpu.memory_space<hbm>>
        %dma_wait3A_65 = arith.constant 0 : i32
        %dma_wait3A_66 = tpu.memref_slice %arg4[%multiple_of3A_58, %dma_wait3A_65] : memref<204800x128xi32, #tpu.memory_space<hbm>> -> memref<320x128xi32, #tpu.memory_space<hbm>>
        tpu.wait_dma2 semaphore(%run_scoped3A : memref<!tpu.dma_semaphore, #tpu.memory_space<semaphore_mem>>) src(%arg7 : memref<320x128xi32, #tpu.memory_space<vmem>>) dst(%dma_wait3A_66 : memref<320x128xi32, #tpu.memory_space<hbm>>)
        tpu.yield
      }) : () -> ()
    }
    %scan3A_18 = arith.constant 10 : i32
    return
  }
}

module attributes {stable_mosaic.version = 14 : i64} {
  func.func @_proj_kernel(%arg0: i32, %arg1: memref<10000x200xbf16, #tpu.memory_space<vmem>>, %arg2: memref<200x256xbf16, #tpu.memory_space<vmem>>, %arg3: memref<10000x128xi32, #tpu.memory_space<vmem>>) attributes {dimension_semantics = [#tpu.dimension_semantics<arbitrary>], iteration_bounds = array<i64: 10>, scalar_prefetch = 0 : i64, scratch_operands = 0 : i64, tpu.core_type = #tpu.core_type<tc>, window_params = [{transform_indices = @transform_0, window_bounds = array<i64: 10000, 200>}, {pipeline_mode = #tpu.pipeline_mode<synchronous>, transform_indices = @transform_1, window_bounds = array<i64: 200, 256>}, {transform_indices = @transform_2, window_bounds = array<i64: 10000, 128>}]} {
    %get3A = arith.constant 0 : index
    %get3A_0 = arith.constant 0 : index
    %get3A_1 = vector.load %arg1[%get3A, %get3A_0] : memref<10000x200xbf16, #tpu.memory_space<vmem>>, vector<10000x200xbf16>
    %get3A_2 = arith.constant 0 : index
    %get3A_3 = arith.constant 0 : index
    %get3A_4 = vector.load %arg2[%get3A_2, %get3A_3] : memref<200x256xbf16, #tpu.memory_space<vmem>>, vector<200x256xbf16>
    %dot_general3A = arith.constant dense<0.000000e+00> : vector<10000x256xf32>
    %dot_general3A_5 = tpu.matmul %get3A_1, %get3A_4, %dot_general3A {dimension_numbers = #tpu.dot_dimension_numbers<[1], [0], [0], [1], [0, 0, 1, 1], [], []>, transpose_lhs_hint = false} : vector<10000x200xbf16>, vector<200x256xbf16>, vector<10000x256xf32> -> vector<10000x256xf32>
    %slice3A = vector.extract_strided_slice %dot_general3A_5 {offsets = [0, 0], sizes = [10000, 128], strides = [1, 1]} : vector<10000x256xf32> to vector<10000x128xf32>
    %bitcast_convert_type3A = tpu.bitcast %slice3A : vector<10000x128xf32> -> vector<10000x128xi32>
    %add3A = arith.constant 32767 : i32
    %add3A_6 = vector.broadcast %add3A : i32 to vector<10000x128xi32>
    %add3A_7 = arith.addi %bitcast_convert_type3A, %add3A_6 : vector<10000x128xi32>
    %shift_right_arithmetic3A = arith.constant 16 : i32
    %shift_right_arithmetic3A_8 = vector.broadcast %shift_right_arithmetic3A : i32 to vector<10000x128xi32>
    %shift_right_arithmetic3A_9 = arith.shrsi %bitcast_convert_type3A, %shift_right_arithmetic3A_8 : vector<10000x128xi32>
    %and3A = arith.constant 1 : i32
    %and3A_10 = vector.broadcast %and3A : i32 to vector<10000x128xi32>
    %and3A_11 = arith.andi %shift_right_arithmetic3A_9, %and3A_10 : vector<10000x128xi32>
    %add3A_12 = arith.addi %add3A_7, %and3A_11 : vector<10000x128xi32>
    %slice3A_13 = vector.extract_strided_slice %dot_general3A_5 {offsets = [0, 128], sizes = [10000, 128], strides = [1, 1]} : vector<10000x256xf32> to vector<10000x128xf32>
    %bitcast_convert_type3A_14 = tpu.bitcast %slice3A_13 : vector<10000x128xf32> -> vector<10000x128xi32>
    %add3A_15 = arith.constant 32767 : i32
    %add3A_16 = vector.broadcast %add3A_15 : i32 to vector<10000x128xi32>
    %add3A_17 = arith.addi %bitcast_convert_type3A_14, %add3A_16 : vector<10000x128xi32>
    %shift_right_arithmetic3A_18 = arith.constant 16 : i32
    %shift_right_arithmetic3A_19 = vector.broadcast %shift_right_arithmetic3A_18 : i32 to vector<10000x128xi32>
    %shift_right_arithmetic3A_20 = arith.shrsi %bitcast_convert_type3A_14, %shift_right_arithmetic3A_19 : vector<10000x128xi32>
    %and3A_21 = arith.constant 1 : i32
    %and3A_22 = vector.broadcast %and3A_21 : i32 to vector<10000x128xi32>
    %and3A_23 = arith.andi %shift_right_arithmetic3A_20, %and3A_22 : vector<10000x128xi32>
    %add3A_24 = arith.addi %add3A_17, %and3A_23 : vector<10000x128xi32>
    %shift_right_arithmetic3A_25 = arith.constant 16 : i32
    %shift_right_arithmetic3A_26 = vector.broadcast %shift_right_arithmetic3A_25 : i32 to vector<10000x128xi32>
    %shift_right_arithmetic3A_27 = arith.shrsi %add3A_12, %shift_right_arithmetic3A_26 : vector<10000x128xi32>
    %and3A_28 = arith.constant 65535 : i32
    %and3A_29 = vector.broadcast %and3A_28 : i32 to vector<10000x128xi32>
    %and3A_30 = arith.andi %shift_right_arithmetic3A_27, %and3A_29 : vector<10000x128xi32>
    %shift_right_arithmetic3A_31 = arith.constant 16 : i32
    %shift_right_arithmetic3A_32 = vector.broadcast %shift_right_arithmetic3A_31 : i32 to vector<10000x128xi32>
    %shift_right_arithmetic3A_33 = arith.shrsi %add3A_24, %shift_right_arithmetic3A_32 : vector<10000x128xi32>
    %shift_left3A = arith.constant 16 : i32
    %shift_left3A_34 = vector.broadcast %shift_left3A : i32 to vector<10000x128xi32>
    %shift_left3A_35 = arith.shli %shift_right_arithmetic3A_33, %shift_left3A_34 : vector<10000x128xi32>
    %or3A = arith.ori %and3A_30, %shift_left3A_35 : vector<10000x128xi32>
    %swap3A = arith.constant 0 : index
    %swap3A_36 = arith.constant 0 : index
    %swap3A_37 = vector.load %arg3[%swap3A, %swap3A_36] : memref<10000x128xi32, #tpu.memory_space<vmem>>, vector<10000x128xi32>
    tpu.vector_store %arg3[%swap3A, %swap3A_36], %or3A {strides = array<i32>} : memref<10000x128xi32, #tpu.memory_space<vmem>>, vector<10000x128xi32>,
    return
  }
  func.func @transform_0(%arg0: i32) -> (i32, i32) {
    %c0_i32 = arith.constant 0 : i32
    %c0_i32_0 = arith.constant 0 : i32
    return %arg0, %c0_i32 : i32, i32
  }
  func.func @transform_1(%arg0: i32) -> (i32, i32) {
    %c0_i32 = arith.constant 0 : i32
    %c0_i32_0 = arith.constant 0 : i32
    %c0_i32_1 = arith.constant 0 : i32
    return %c0_i32, %c0_i32_0 : i32, i32
  }
  func.func @transform_2(%arg0: i32) -> (i32, i32) {
    %c0_i32 = arith.constant 0 : i32
    %c0_i32_0 = arith.constant 0 : i32
    return %arg0, %c0_i32 : i32, i32
  }
}

module attributes {stable_mosaic.version = 14 : i64} {
  func.func @_scan_kernel(%arg0: i32, %arg1: memref<4x1024x128xi32, #tpu.memory_space<vmem>>, %arg2: memref<4x1024x128xi32, #tpu.memory_space<vmem>>, %arg3: memref<64x256xf32, #tpu.memory_space<vmem>>, %arg4: memref<1x128xf32, #tpu.memory_space<vmem>>, %arg5: memref<1x64xf32, #tpu.memory_space<vmem>>, %arg6: memref<1x64xf32, #tpu.memory_space<vmem>>, %arg7: memref<32x1xf32, #tpu.memory_space<vmem>>, %arg8: memref<1x1xf32, #tpu.memory_space<vmem>>, %arg9: memref<1024x1xf32, #tpu.memory_space<vmem>>, %arg10: memref<1024x64xf32, #tpu.memory_space<vmem>>) attributes {dimension_semantics = [#tpu.dimension_semantics<arbitrary>], iteration_bounds = array<i64: 50>, scalar_prefetch = 0 : i64, scratch_operands = 1 : i64, tpu.core_type = #tpu.core_type<tc>, window_params = [{transform_indices = @transform_0, window_bounds = array<i64: 4, 1024, 128>}, {transform_indices = @transform_1, window_bounds = array<i64: 4, 1024, 128>}, {pipeline_mode = #tpu.pipeline_mode<synchronous>, transform_indices = @transform_2, window_bounds = array<i64: 64, 256>}, {pipeline_mode = #tpu.pipeline_mode<synchronous>, transform_indices = @transform_3, window_bounds = array<i64: 1, 128>}, {pipeline_mode = #tpu.pipeline_mode<synchronous>, transform_indices = @transform_4, window_bounds = array<i64: 1, 64>}, {pipeline_mode = #tpu.pipeline_mode<synchronous>, transform_indices = @transform_5, window_bounds = array<i64: 1, 64>}, {pipeline_mode = #tpu.pipeline_mode<synchronous>, transform_indices = @transform_6, window_bounds = array<i64: 32, 1>}, {pipeline_mode = #tpu.pipeline_mode<synchronous>, transform_indices = @transform_7, window_bounds = array<i64: 1, 1>}, {pipeline_mode = #tpu.pipeline_mode<synchronous>, transform_indices = @transform_8, window_bounds = array<i64: 1024, 1>}]} {
    %eq3A = arith.constant 0 : i32
    %eq3A_0 = arith.cmpi eq, %arg0, %eq3A : i32
    %convert_element_type3A = arith.extui %eq3A_0 : i1 to i32
    %cond3A = arith.constant 0 : i32
    %cond3A_1 = arith.cmpi ne, %convert_element_type3A, %cond3A : i32
    scf.if %cond3A_1 {
      %broadcast_in_dim3A = arith.constant 0.000000e+00 : f32
      %broadcast_in_dim3A_297 = vector.broadcast %broadcast_in_dim3A : f32 to vector<1024x64xf32>
      %swap3A_298 = arith.constant 0 : index
      %swap3A_299 = arith.constant 0 : index
      %swap3A_300 = vector.load %arg10[%swap3A_298, %swap3A_299] : memref<1024x64xf32, #tpu.memory_space<vmem>>, vector<1024x64xf32>
      tpu.vector_store %arg10[%swap3A_298, %swap3A_299], %broadcast_in_dim3A_297 {strides = array<i32>} : memref<1024x64xf32, #tpu.memory_space<vmem>>, vector<1024x64xf32>,
    } else {
    }
    %iota3A = tpu.iota {dimensions = array<i32: 1>} : vector<1024x128xi32>
    %get3A = arith.constant 0 : index
    %get3A_2 = arith.constant 0 : index
    %get3A_3 = vector.load %arg10[%get3A, %get3A_2] : memref<1024x64xf32, #tpu.memory_space<vmem>>, vector<1024x64xf32>
    %get3A_4 = arith.constant 0 : index
    %get3A_5 = arith.constant 0 : index
    %get3A_6 = arith.constant 0 : index
    %get3A_7 = vector.load %arg1[%get3A_4, %get3A_5, %get3A_6] : memref<4x1024x128xi32, #tpu.memory_space<vmem>>, vector<1x1024x128xi32>
    %get3A_8 = vector.shape_cast %get3A_7 : vector<1x1024x128xi32> to vector<1024x128xi32>
    %get3A_9 = arith.constant 3 : index
    %get3A_10 = arith.constant 0 : index
    %get3A_11 = arith.constant 0 : index
    %get3A_12 = vector.load %arg2[%get3A_9, %get3A_10, %get3A_11] : memref<4x1024x128xi32, #tpu.memory_space<vmem>>, vector<1x1024x128xi32>
    %get3A_13 = vector.shape_cast %get3A_12 : vector<1x1024x128xi32> to vector<1024x128xi32>
    %shift_left3A = arith.constant 16 : i32
    %shift_left3A_14 = vector.broadcast %shift_left3A : i32 to vector<1024x128xi32>
    %shift_left3A_15 = arith.shli %get3A_8, %shift_left3A_14 : vector<1024x128xi32>
    %bitcast_convert_type3A = tpu.bitcast %shift_left3A_15 : vector<1024x128xi32> -> vector<1024x128xf32>
    %shift_right_arithmetic3A = arith.constant 16 : i32
    %shift_right_arithmetic3A_16 = vector.broadcast %shift_right_arithmetic3A : i32 to vector<1024x128xi32>
    %shift_right_arithmetic3A_17 = arith.shrsi %get3A_13, %shift_right_arithmetic3A_16 : vector<1024x128xi32>
    %shift_left3A_18 = arith.constant 16 : i32
    %shift_left3A_19 = vector.broadcast %shift_left3A_18 : i32 to vector<1024x128xi32>
    %shift_left3A_20 = arith.shli %shift_right_arithmetic3A_17, %shift_left3A_19 : vector<1024x128xi32>
    %bitcast_convert_type3A_21 = tpu.bitcast %shift_left3A_20 : vector<1024x128xi32> -> vector<1024x128xf32>
    %and3A = arith.constant 32 : i32
    %and3A_22 = vector.broadcast %and3A : i32 to vector<1024x128xi32>
    %and3A_23 = arith.andi %iota3A, %and3A_22 : vector<1024x128xi32>
    %eq3A_24 = arith.constant 0 : i32
    %eq3A_25 = vector.broadcast %eq3A_24 : i32 to vector<1024x128xi32>
    %eq3A_26 = arith.cmpi eq, %and3A_23, %eq3A_25 : vector<1024x128xi32>
    %select_n3A = arith.select %eq3A_26, %bitcast_convert_type3A, %bitcast_convert_type3A_21 : vector<1024x128xi1>, vector<1024x128xf32>
    %ge3A = arith.constant 64 : i32
    %ge3A_27 = vector.broadcast %ge3A : i32 to vector<1024x128xi32>
    %ge3A_28 = arith.cmpi sge, %iota3A, %ge3A_27 : vector<1024x128xi32>
    %select_n3A_29 = arith.select %ge3A_28, %bitcast_convert_type3A, %bitcast_convert_type3A_21 : vector<1024x128xi1>, vector<1024x128xf32>
    %roll3A = arith.constant 32 : i32
    %roll3A_30 = tpu.dynamic_rotate %select_n3A_29 by %roll3A dim 1 : vector<1024x128xf32>, i32 -> vector<1024x128xf32>
    %get3A_31 = arith.constant 0 : index
    %get3A_32 = arith.constant 0 : index
    %get3A_33 = vector.load %arg3[%get3A_31, %get3A_32] : memref<64x256xf32, #tpu.memory_space<vmem>>, vector<64x256xf32>
    %dot_general3A = arith.constant dense<0.000000e+00> : vector<1024x256xf32>
    %dot_general3A_34 = tpu.matmul %get3A_3, %get3A_33, %dot_general3A {dimension_numbers = #tpu.dot_dimension_numbers<[1], [0], [0], [1], [0, 0, 1, 1], [], []>, transpose_lhs_hint = false} : vector<1024x64xf32>, vector<64x256xf32>, vector<1024x256xf32> -> vector<1024x256xf32>
    %slice3A = vector.extract_strided_slice %dot_general3A_34 {offsets = [0, 0], sizes = [1024, 128], strides = [1, 1]} : vector<1024x256xf32> to vector<1024x128xf32>
    %add3A = arith.addf %select_n3A, %slice3A : vector<1024x128xf32>
    %get3A_35 = arith.constant 0 : index
    %get3A_36 = arith.constant 0 : index
    %get3A_37 = vector.load %arg4[%get3A_35, %get3A_36] : memref<1x128xf32, #tpu.memory_space<vmem>>, vector<1x128xf32>
    %add3A_38 = vector.broadcast %get3A_37 : vector<1x128xf32> to vector<1024x128xf32>
    %add3A_39 = arith.addf %add3A, %add3A_38 : vector<1024x128xf32>
    %logistic3A = arith.negf %add3A_39 : vector<1024x128xf32>
    %logistic3A_40 = math.exp %logistic3A : vector<1024x128xf32>
    %logistic3A_41 = arith.constant 1.000000e+00 : f32
    %logistic3A_42 = vector.broadcast %logistic3A_41 : f32 to vector<1024x128xf32>
    %logistic3A_43 = arith.addf %logistic3A_42, %logistic3A_40 : vector<1024x128xf32>
    %logistic3A_44 = arith.divf %logistic3A_42, %logistic3A_43 : vector<1024x128xf32>
    %slice3A_45 = vector.extract_strided_slice %logistic3A_44 {offsets = [0, 0], sizes = [1024, 64], strides = [1, 1]} : vector<1024x128xf32> to vector<1024x64xf32>
    %slice3A_46 = vector.extract_strided_slice %logistic3A_44 {offsets = [0, 64], sizes = [1024, 64], strides = [1, 1]} : vector<1024x128xf32> to vector<1024x64xf32>
    %slice3A_47 = vector.extract_strided_slice %roll3A_30 {offsets = [0, 0], sizes = [1024, 64], strides = [1, 1]} : vector<1024x128xf32> to vector<1024x64xf32>
    %get3A_48 = arith.constant 0 : index
    %get3A_49 = arith.constant 0 : index
    %get3A_50 = vector.load %arg5[%get3A_48, %get3A_49] : memref<1x64xf32, #tpu.memory_space<vmem>>, vector<1x64xf32>
    %add3A_51 = vector.broadcast %get3A_50 : vector<1x64xf32> to vector<1024x64xf32>
    %add3A_52 = arith.addf %slice3A_47, %add3A_51 : vector<1024x64xf32>
    %slice3A_53 = vector.extract_strided_slice %dot_general3A_34 {offsets = [0, 128], sizes = [1024, 64], strides = [1, 1]} : vector<1024x256xf32> to vector<1024x64xf32>
    %get3A_54 = arith.constant 0 : index
    %get3A_55 = arith.constant 0 : index
    %get3A_56 = vector.load %arg6[%get3A_54, %get3A_55] : memref<1x64xf32, #tpu.memory_space<vmem>>, vector<1x64xf32>
    %add3A_57 = vector.broadcast %get3A_56 : vector<1x64xf32> to vector<1024x64xf32>
    %add3A_58 = arith.addf %slice3A_53, %add3A_57 : vector<1024x64xf32>
    %mul3A = arith.mulf %slice3A_45, %add3A_58 : vector<1024x64xf32>
    %add3A_59 = arith.addf %add3A_52, %mul3A : vector<1024x64xf32>
    %tanh3A = math.tanh %add3A_59 : vector<1024x64xf32>
    %sub3A = arith.constant 1.000000e+00 : f32
    %sub3A_60 = vector.broadcast %sub3A : f32 to vector<1024x64xf32>
    %sub3A_61 = arith.subf %sub3A_60, %slice3A_46 : vector<1024x64xf32>
    %mul3A_62 = arith.mulf %sub3A_61, %tanh3A : vector<1024x64xf32>
    %mul3A_63 = arith.mulf %slice3A_46, %get3A_3 : vector<1024x64xf32>
    %add3A_64 = arith.addf %mul3A_62, %mul3A_63 : vector<1024x64xf32>
    %get3A_65 = arith.constant 1 : index
    %get3A_66 = arith.constant 0 : index
    %get3A_67 = arith.constant 0 : index
    %get3A_68 = vector.load %arg1[%get3A_65, %get3A_66, %get3A_67] : memref<4x1024x128xi32, #tpu.memory_space<vmem>>, vector<1x1024x128xi32>
    %get3A_69 = vector.shape_cast %get3A_68 : vector<1x1024x128xi32> to vector<1024x128xi32>
    %get3A_70 = arith.constant 2 : index
    %get3A_71 = arith.constant 0 : index
    %get3A_72 = arith.constant 0 : index
    %get3A_73 = vector.load %arg2[%get3A_70, %get3A_71, %get3A_72] : memref<4x1024x128xi32, #tpu.memory_space<vmem>>, vector<1x1024x128xi32>
    %get3A_74 = vector.shape_cast %get3A_73 : vector<1x1024x128xi32> to vector<1024x128xi32>
    %shift_left3A_75 = arith.constant 16 : i32
    %shift_left3A_76 = vector.broadcast %shift_left3A_75 : i32 to vector<1024x128xi32>
    %shift_left3A_77 = arith.shli %get3A_69, %shift_left3A_76 : vector<1024x128xi32>
    %bitcast_convert_type3A_78 = tpu.bitcast %shift_left3A_77 : vector<1024x128xi32> -> vector<1024x128xf32>
    %shift_right_arithmetic3A_79 = arith.constant 16 : i32
    %shift_right_arithmetic3A_80 = vector.broadcast %shift_right_arithmetic3A_79 : i32 to vector<1024x128xi32>
    %shift_right_arithmetic3A_81 = arith.shrsi %get3A_74, %shift_right_arithmetic3A_80 : vector<1024x128xi32>
    %shift_left3A_82 = arith.constant 16 : i32
    %shift_left3A_83 = vector.broadcast %shift_left3A_82 : i32 to vector<1024x128xi32>
    %shift_left3A_84 = arith.shli %shift_right_arithmetic3A_81, %shift_left3A_83 : vector<1024x128xi32>
    %bitcast_convert_type3A_85 = tpu.bitcast %shift_left3A_84 : vector<1024x128xi32> -> vector<1024x128xf32>
    %and3A_86 = arith.constant 32 : i32
    %and3A_87 = vector.broadcast %and3A_86 : i32 to vector<1024x128xi32>
    %and3A_88 = arith.andi %iota3A, %and3A_87 : vector<1024x128xi32>
    %eq3A_89 = arith.constant 0 : i32
    %eq3A_90 = vector.broadcast %eq3A_89 : i32 to vector<1024x128xi32>
    %eq3A_91 = arith.cmpi eq, %and3A_88, %eq3A_90 : vector<1024x128xi32>
    %select_n3A_92 = arith.select %eq3A_91, %bitcast_convert_type3A_78, %bitcast_convert_type3A_85 : vector<1024x128xi1>, vector<1024x128xf32>
    %ge3A_93 = arith.constant 64 : i32
    %ge3A_94 = vector.broadcast %ge3A_93 : i32 to vector<1024x128xi32>
    %ge3A_95 = arith.cmpi sge, %iota3A, %ge3A_94 : vector<1024x128xi32>
    %select_n3A_96 = arith.select %ge3A_95, %bitcast_convert_type3A_78, %bitcast_convert_type3A_85 : vector<1024x128xi1>, vector<1024x128xf32>
    %roll3A_97 = arith.constant 32 : i32
    %roll3A_98 = tpu.dynamic_rotate %select_n3A_96 by %roll3A_97 dim 1 : vector<1024x128xf32>, i32 -> vector<1024x128xf32>
    %get3A_99 = arith.constant 0 : index
    %get3A_100 = arith.constant 0 : index
    %get3A_101 = vector.load %arg3[%get3A_99, %get3A_100] : memref<64x256xf32, #tpu.memory_space<vmem>>, vector<64x256xf32>
    %dot_general3A_102 = arith.constant dense<0.000000e+00> : vector<1024x256xf32>
    %dot_general3A_103 = tpu.matmul %add3A_64, %get3A_101, %dot_general3A_102 {dimension_numbers = #tpu.dot_dimension_numbers<[1], [0], [0], [1], [0, 0, 1, 1], [], []>, transpose_lhs_hint = false} : vector<1024x64xf32>, vector<64x256xf32>, vector<1024x256xf32> -> vector<1024x256xf32>
    %slice3A_104 = vector.extract_strided_slice %dot_general3A_103 {offsets = [0, 0], sizes = [1024, 128], strides = [1, 1]} : vector<1024x256xf32> to vector<1024x128xf32>
    %add3A_105 = arith.addf %select_n3A_92, %slice3A_104 : vector<1024x128xf32>
    %get3A_106 = arith.constant 0 : index
    %get3A_107 = arith.constant 0 : index
    %get3A_108 = vector.load %arg4[%get3A_106, %get3A_107] : memref<1x128xf32, #tpu.memory_space<vmem>>, vector<1x128xf32>
    %add3A_109 = vector.broadcast %get3A_108 : vector<1x128xf32> to vector<1024x128xf32>
    %add3A_110 = arith.addf %add3A_105, %add3A_109 : vector<1024x128xf32>
    %logistic3A_111 = arith.negf %add3A_110 : vector<1024x128xf32>
    %logistic3A_112 = math.exp %logistic3A_111 : vector<1024x128xf32>
    %logistic3A_113 = arith.constant 1.000000e+00 : f32
    %logistic3A_114 = vector.broadcast %logistic3A_113 : f32 to vector<1024x128xf32>
    %logistic3A_115 = arith.addf %logistic3A_114, %logistic3A_112 : vector<1024x128xf32>
    %logistic3A_116 = arith.divf %logistic3A_114, %logistic3A_115 : vector<1024x128xf32>
    %slice3A_117 = vector.extract_strided_slice %logistic3A_116 {offsets = [0, 0], sizes = [1024, 64], strides = [1, 1]} : vector<1024x128xf32> to vector<1024x64xf32>
    %slice3A_118 = vector.extract_strided_slice %logistic3A_116 {offsets = [0, 64], sizes = [1024, 64], strides = [1, 1]} : vector<1024x128xf32> to vector<1024x64xf32>
    %slice3A_119 = vector.extract_strided_slice %roll3A_98 {offsets = [0, 0], sizes = [1024, 64], strides = [1, 1]} : vector<1024x128xf32> to vector<1024x64xf32>
    %get3A_120 = arith.constant 0 : index
    %get3A_121 = arith.constant 0 : index
    %get3A_122 = vector.load %arg5[%get3A_120, %get3A_121] : memref<1x64xf32, #tpu.memory_space<vmem>>, vector<1x64xf32>
    %add3A_123 = vector.broadcast %get3A_122 : vector<1x64xf32> to vector<1024x64xf32>
    %add3A_124 = arith.addf %slice3A_119, %add3A_123 : vector<1024x64xf32>
    %slice3A_125 = vector.extract_strided_slice %dot_general3A_103 {offsets = [0, 128], sizes = [1024, 64], strides = [1, 1]} : vector<1024x256xf32> to vector<1024x64xf32>
    %get3A_126 = arith.constant 0 : index
    %get3A_127 = arith.constant 0 : index
    %get3A_128 = vector.load %arg6[%get3A_126, %get3A_127] : memref<1x64xf32, #tpu.memory_space<vmem>>, vector<1x64xf32>
    %add3A_129 = vector.broadcast %get3A_128 : vector<1x64xf32> to vector<1024x64xf32>
    %add3A_130 = arith.addf %slice3A_125, %add3A_129 : vector<1024x64xf32>
    %mul3A_131 = arith.mulf %slice3A_117, %add3A_130 : vector<1024x64xf32>
    %add3A_132 = arith.addf %add3A_124, %mul3A_131 : vector<1024x64xf32>
    %tanh3A_133 = math.tanh %add3A_132 : vector<1024x64xf32>
    %sub3A_134 = arith.constant 1.000000e+00 : f32
    %sub3A_135 = vector.broadcast %sub3A_134 : f32 to vector<1024x64xf32>
    %sub3A_136 = arith.subf %sub3A_135, %slice3A_118 : vector<1024x64xf32>
    %mul3A_137 = arith.mulf %sub3A_136, %tanh3A_133 : vector<1024x64xf32>
    %mul3A_138 = arith.mulf %slice3A_118, %add3A_64 : vector<1024x64xf32>
    %add3A_139 = arith.addf %mul3A_137, %mul3A_138 : vector<1024x64xf32>
    %get3A_140 = arith.constant 2 : index
    %get3A_141 = arith.constant 0 : index
    %get3A_142 = arith.constant 0 : index
    %get3A_143 = vector.load %arg1[%get3A_140, %get3A_141, %get3A_142] : memref<4x1024x128xi32, #tpu.memory_space<vmem>>, vector<1x1024x128xi32>
    %get3A_144 = vector.shape_cast %get3A_143 : vector<1x1024x128xi32> to vector<1024x128xi32>
    %get3A_145 = arith.constant 1 : index
    %get3A_146 = arith.constant 0 : index
    %get3A_147 = arith.constant 0 : index
    %get3A_148 = vector.load %arg2[%get3A_145, %get3A_146, %get3A_147] : memref<4x1024x128xi32, #tpu.memory_space<vmem>>, vector<1x1024x128xi32>
    %get3A_149 = vector.shape_cast %get3A_148 : vector<1x1024x128xi32> to vector<1024x128xi32>
    %shift_left3A_150 = arith.constant 16 : i32
    %shift_left3A_151 = vector.broadcast %shift_left3A_150 : i32 to vector<1024x128xi32>
    %shift_left3A_152 = arith.shli %get3A_144, %shift_left3A_151 : vector<1024x128xi32>
    %bitcast_convert_type3A_153 = tpu.bitcast %shift_left3A_152 : vector<1024x128xi32> -> vector<1024x128xf32>
    %shift_right_arithmetic3A_154 = arith.constant 16 : i32
    %shift_right_arithmetic3A_155 = vector.broadcast %shift_right_arithmetic3A_154 : i32 to vector<1024x128xi32>
    %shift_right_arithmetic3A_156 = arith.shrsi %get3A_149, %shift_right_arithmetic3A_155 : vector<1024x128xi32>
    %shift_left3A_157 = arith.constant 16 : i32
    %shift_left3A_158 = vector.broadcast %shift_left3A_157 : i32 to vector<1024x128xi32>
    %shift_left3A_159 = arith.shli %shift_right_arithmetic3A_156, %shift_left3A_158 : vector<1024x128xi32>
    %bitcast_convert_type3A_160 = tpu.bitcast %shift_left3A_159 : vector<1024x128xi32> -> vector<1024x128xf32>
    %and3A_161 = arith.constant 32 : i32
    %and3A_162 = vector.broadcast %and3A_161 : i32 to vector<1024x128xi32>
    %and3A_163 = arith.andi %iota3A, %and3A_162 : vector<1024x128xi32>
    %eq3A_164 = arith.constant 0 : i32
    %eq3A_165 = vector.broadcast %eq3A_164 : i32 to vector<1024x128xi32>
    %eq3A_166 = arith.cmpi eq, %and3A_163, %eq3A_165 : vector<1024x128xi32>
    %select_n3A_167 = arith.select %eq3A_166, %bitcast_convert_type3A_153, %bitcast_convert_type3A_160 : vector<1024x128xi1>, vector<1024x128xf32>
    %ge3A_168 = arith.constant 64 : i32
    %ge3A_169 = vector.broadcast %ge3A_168 : i32 to vector<1024x128xi32>
    %ge3A_170 = arith.cmpi sge, %iota3A, %ge3A_169 : vector<1024x128xi32>
    %select_n3A_171 = arith.select %ge3A_170, %bitcast_convert_type3A_153, %bitcast_convert_type3A_160 : vector<1024x128xi1>, vector<1024x128xf32>
    %roll3A_172 = arith.constant 32 : i32
    %roll3A_173 = tpu.dynamic_rotate %select_n3A_171 by %roll3A_172 dim 1 : vector<1024x128xf32>, i32 -> vector<1024x128xf32>
    %get3A_174 = arith.constant 0 : index
    %get3A_175 = arith.constant 0 : index
    %get3A_176 = vector.load %arg3[%get3A_174, %get3A_175] : memref<64x256xf32, #tpu.memory_space<vmem>>, vector<64x256xf32>
    %dot_general3A_177 = arith.constant dense<0.000000e+00> : vector<1024x256xf32>
    %dot_general3A_178 = tpu.matmul %add3A_139, %get3A_176, %dot_general3A_177 {dimension_numbers = #tpu.dot_dimension_numbers<[1], [0], [0], [1], [0, 0, 1, 1], [], []>, transpose_lhs_hint = false} : vector<1024x64xf32>, vector<64x256xf32>, vector<1024x256xf32> -> vector<1024x256xf32>
    %slice3A_179 = vector.extract_strided_slice %dot_general3A_178 {offsets = [0, 0], sizes = [1024, 128], strides = [1, 1]} : vector<1024x256xf32> to vector<1024x128xf32>
    %add3A_180 = arith.addf %select_n3A_167, %slice3A_179 : vector<1024x128xf32>
    %get3A_181 = arith.constant 0 : index
    %get3A_182 = arith.constant 0 : index
    %get3A_183 = vector.load %arg4[%get3A_181, %get3A_182] : memref<1x128xf32, #tpu.memory_space<vmem>>, vector<1x128xf32>
    %add3A_184 = vector.broadcast %get3A_183 : vector<1x128xf32> to vector<1024x128xf32>
    %add3A_185 = arith.addf %add3A_180, %add3A_184 : vector<1024x128xf32>
    %logistic3A_186 = arith.negf %add3A_185 : vector<1024x128xf32>
    %logistic3A_187 = math.exp %logistic3A_186 : vector<1024x128xf32>
    %logistic3A_188 = arith.constant 1.000000e+00 : f32
    %logistic3A_189 = vector.broadcast %logistic3A_188 : f32 to vector<1024x128xf32>
    %logistic3A_190 = arith.addf %logistic3A_189, %logistic3A_187 : vector<1024x128xf32>
    %logistic3A_191 = arith.divf %logistic3A_189, %logistic3A_190 : vector<1024x128xf32>
    %slice3A_192 = vector.extract_strided_slice %logistic3A_191 {offsets = [0, 0], sizes = [1024, 64], strides = [1, 1]} : vector<1024x128xf32> to vector<1024x64xf32>
    %slice3A_193 = vector.extract_strided_slice %logistic3A_191 {offsets = [0, 64], sizes = [1024, 64], strides = [1, 1]} : vector<1024x128xf32> to vector<1024x64xf32>
    %slice3A_194 = vector.extract_strided_slice %roll3A_173 {offsets = [0, 0], sizes = [1024, 64], strides = [1, 1]} : vector<1024x128xf32> to vector<1024x64xf32>
    %get3A_195 = arith.constant 0 : index
    %get3A_196 = arith.constant 0 : index
    %get3A_197 = vector.load %arg5[%get3A_195, %get3A_196] : memref<1x64xf32, #tpu.memory_space<vmem>>, vector<1x64xf32>
    %add3A_198 = vector.broadcast %get3A_197 : vector<1x64xf32> to vector<1024x64xf32>
    %add3A_199 = arith.addf %slice3A_194, %add3A_198 : vector<1024x64xf32>
    %slice3A_200 = vector.extract_strided_slice %dot_general3A_178 {offsets = [0, 128], sizes = [1024, 64], strides = [1, 1]} : vector<1024x256xf32> to vector<1024x64xf32>
    %get3A_201 = arith.constant 0 : index
    %get3A_202 = arith.constant 0 : index
    %get3A_203 = vector.load %arg6[%get3A_201, %get3A_202] : memref<1x64xf32, #tpu.memory_space<vmem>>, vector<1x64xf32>
    %add3A_204 = vector.broadcast %get3A_203 : vector<1x64xf32> to vector<1024x64xf32>
    %add3A_205 = arith.addf %slice3A_200, %add3A_204 : vector<1024x64xf32>
    %mul3A_206 = arith.mulf %slice3A_192, %add3A_205 : vector<1024x64xf32>
    %add3A_207 = arith.addf %add3A_199, %mul3A_206 : vector<1024x64xf32>
    %tanh3A_208 = math.tanh %add3A_207 : vector<1024x64xf32>
    %sub3A_209 = arith.constant 1.000000e+00 : f32
    %sub3A_210 = vector.broadcast %sub3A_209 : f32 to vector<1024x64xf32>
    %sub3A_211 = arith.subf %sub3A_210, %slice3A_193 : vector<1024x64xf32>
    %mul3A_212 = arith.mulf %sub3A_211, %tanh3A_208 : vector<1024x64xf32>
    %mul3A_213 = arith.mulf %slice3A_193, %add3A_139 : vector<1024x64xf32>
    %add3A_214 = arith.addf %mul3A_212, %mul3A_213 : vector<1024x64xf32>
    %get3A_215 = arith.constant 3 : index
    %get3A_216 = arith.constant 0 : index
    %get3A_217 = arith.constant 0 : index
    %get3A_218 = vector.load %arg1[%get3A_215, %get3A_216, %get3A_217] : memref<4x1024x128xi32, #tpu.memory_space<vmem>>, vector<1x1024x128xi32>
    %get3A_219 = vector.shape_cast %get3A_218 : vector<1x1024x128xi32> to vector<1024x128xi32>
    %get3A_220 = arith.constant 0 : index
    %get3A_221 = arith.constant 0 : index
    %get3A_222 = arith.constant 0 : index
    %get3A_223 = vector.load %arg2[%get3A_220, %get3A_221, %get3A_222] : memref<4x1024x128xi32, #tpu.memory_space<vmem>>, vector<1x1024x128xi32>
    %get3A_224 = vector.shape_cast %get3A_223 : vector<1x1024x128xi32> to vector<1024x128xi32>
    %shift_left3A_225 = arith.constant 16 : i32
    %shift_left3A_226 = vector.broadcast %shift_left3A_225 : i32 to vector<1024x128xi32>
    %shift_left3A_227 = arith.shli %get3A_219, %shift_left3A_226 : vector<1024x128xi32>
    %bitcast_convert_type3A_228 = tpu.bitcast %shift_left3A_227 : vector<1024x128xi32> -> vector<1024x128xf32>
    %shift_right_arithmetic3A_229 = arith.constant 16 : i32
    %shift_right_arithmetic3A_230 = vector.broadcast %shift_right_arithmetic3A_229 : i32 to vector<1024x128xi32>
    %shift_right_arithmetic3A_231 = arith.shrsi %get3A_224, %shift_right_arithmetic3A_230 : vector<1024x128xi32>
    %shift_left3A_232 = arith.constant 16 : i32
    %shift_left3A_233 = vector.broadcast %shift_left3A_232 : i32 to vector<1024x128xi32>
    %shift_left3A_234 = arith.shli %shift_right_arithmetic3A_231, %shift_left3A_233 : vector<1024x128xi32>
    %bitcast_convert_type3A_235 = tpu.bitcast %shift_left3A_234 : vector<1024x128xi32> -> vector<1024x128xf32>
    %and3A_236 = arith.constant 32 : i32
    %and3A_237 = vector.broadcast %and3A_236 : i32 to vector<1024x128xi32>
    %and3A_238 = arith.andi %iota3A, %and3A_237 : vector<1024x128xi32>
    %eq3A_239 = arith.constant 0 : i32
    %eq3A_240 = vector.broadcast %eq3A_239 : i32 to vector<1024x128xi32>
    %eq3A_241 = arith.cmpi eq, %and3A_238, %eq3A_240 : vector<1024x128xi32>
    %select_n3A_242 = arith.select %eq3A_241, %bitcast_convert_type3A_228, %bitcast_convert_type3A_235 : vector<1024x128xi1>, vector<1024x128xf32>
    %ge3A_243 = arith.constant 64 : i32
    %ge3A_244 = vector.broadcast %ge3A_243 : i32 to vector<1024x128xi32>
    %ge3A_245 = arith.cmpi sge, %iota3A, %ge3A_244 : vector<1024x128xi32>
    %select_n3A_246 = arith.select %ge3A_245, %bitcast_convert_type3A_228, %bitcast_convert_type3A_235 : vector<1024x128xi1>, vector<1024x128xf32>
    %roll3A_247 = arith.constant 32 : i32
    %roll3A_248 = tpu.dynamic_rotate %select_n3A_246 by %roll3A_247 dim 1 : vector<1024x128xf32>, i32 -> vector<1024x128xf32>
    %get3A_249 = arith.constant 0 : index
    %get3A_250 = arith.constant 0 : index
    %get3A_251 = vector.load %arg3[%get3A_249, %get3A_250] : memref<64x256xf32, #tpu.memory_space<vmem>>, vector<64x256xf32>
    %dot_general3A_252 = arith.constant dense<0.000000e+00> : vector<1024x256xf32>
    %dot_general3A_253 = tpu.matmul %add3A_214, %get3A_251, %dot_general3A_252 {dimension_numbers = #tpu.dot_dimension_numbers<[1], [0], [0], [1], [0, 0, 1, 1], [], []>, transpose_lhs_hint = false} : vector<1024x64xf32>, vector<64x256xf32>, vector<1024x256xf32> -> vector<1024x256xf32>
    %slice3A_254 = vector.extract_strided_slice %dot_general3A_253 {offsets = [0, 0], sizes = [1024, 128], strides = [1, 1]} : vector<1024x256xf32> to vector<1024x128xf32>
    %add3A_255 = arith.addf %select_n3A_242, %slice3A_254 : vector<1024x128xf32>
    %get3A_256 = arith.constant 0 : index
    %get3A_257 = arith.constant 0 : index
    %get3A_258 = vector.load %arg4[%get3A_256, %get3A_257] : memref<1x128xf32, #tpu.memory_space<vmem>>, vector<1x128xf32>
    %add3A_259 = vector.broadcast %get3A_258 : vector<1x128xf32> to vector<1024x128xf32>
    %add3A_260 = arith.addf %add3A_255, %add3A_259 : vector<1024x128xf32>
    %logistic3A_261 = arith.negf %add3A_260 : vector<1024x128xf32>
    %logistic3A_262 = math.exp %logistic3A_261 : vector<1024x128xf32>
    %logistic3A_263 = arith.constant 1.000000e+00 : f32
    %logistic3A_264 = vector.broadcast %logistic3A_263 : f32 to vector<1024x128xf32>
    %logistic3A_265 = arith.addf %logistic3A_264, %logistic3A_262 : vector<1024x128xf32>
    %logistic3A_266 = arith.divf %logistic3A_264, %logistic3A_265 : vector<1024x128xf32>
    %slice3A_267 = vector.extract_strided_slice %logistic3A_266 {offsets = [0, 0], sizes = [1024, 64], strides = [1, 1]} : vector<1024x128xf32> to vector<1024x64xf32>
    %slice3A_268 = vector.extract_strided_slice %logistic3A_266 {offsets = [0, 64], sizes = [1024, 64], strides = [1, 1]} : vector<1024x128xf32> to vector<1024x64xf32>
    %slice3A_269 = vector.extract_strided_slice %roll3A_248 {offsets = [0, 0], sizes = [1024, 64], strides = [1, 1]} : vector<1024x128xf32> to vector<1024x64xf32>
    %get3A_270 = arith.constant 0 : index
    %get3A_271 = arith.constant 0 : index
    %get3A_272 = vector.load %arg5[%get3A_270, %get3A_271] : memref<1x64xf32, #tpu.memory_space<vmem>>, vector<1x64xf32>
    %add3A_273 = vector.broadcast %get3A_272 : vector<1x64xf32> to vector<1024x64xf32>
    %add3A_274 = arith.addf %slice3A_269, %add3A_273 : vector<1024x64xf32>
    %slice3A_275 = vector.extract_strided_slice %dot_general3A_253 {offsets = [0, 128], sizes = [1024, 64], strides = [1, 1]} : vector<1024x256xf32> to vector<1024x64xf32>
    %get3A_276 = arith.constant 0 : index
    %get3A_277 = arith.constant 0 : index
    %get3A_278 = vector.load %arg6[%get3A_276, %get3A_277] : memref<1x64xf32, #tpu.memory_space<vmem>>, vector<1x64xf32>
    %add3A_279 = vector.broadcast %get3A_278 : vector<1x64xf32> to vector<1024x64xf32>
    %add3A_280 = arith.addf %slice3A_275, %add3A_279 : vector<1024x64xf32>
    %mul3A_281 = arith.mulf %slice3A_267, %add3A_280 : vector<1024x64xf32>
    %add3A_282 = arith.addf %add3A_274, %mul3A_281 : vector<1024x64xf32>
    %tanh3A_283 = math.tanh %add3A_282 : vector<1024x64xf32>
    %sub3A_284 = arith.constant 1.000000e+00 : f32
    %sub3A_285 = vector.broadcast %sub3A_284 : f32 to vector<1024x64xf32>
    %sub3A_286 = arith.subf %sub3A_285, %slice3A_268 : vector<1024x64xf32>
    %mul3A_287 = arith.mulf %sub3A_286, %tanh3A_283 : vector<1024x64xf32>
    %mul3A_288 = arith.mulf %slice3A_268, %add3A_214 : vector<1024x64xf32>
    %add3A_289 = arith.addf %mul3A_287, %mul3A_288 : vector<1024x64xf32>
    %swap3A = arith.constant 0 : index
    %swap3A_290 = arith.constant 0 : index
    %swap3A_291 = vector.load %arg10[%swap3A, %swap3A_290] : memref<1024x64xf32, #tpu.memory_space<vmem>>, vector<1024x64xf32>
    tpu.vector_store %arg10[%swap3A, %swap3A_290], %add3A_289 {strides = array<i32>} : memref<1024x64xf32, #tpu.memory_space<vmem>>, vector<1024x64xf32>,
    %eq3A_292 = arith.constant 49 : i32
    %eq3A_293 = arith.cmpi eq, %arg0, %eq3A_292 : i32
    %convert_element_type3A_294 = arith.extui %eq3A_293 : i1 to i32
    %cond3A_295 = arith.constant 0 : i32
    %cond3A_296 = arith.cmpi ne, %convert_element_type3A_294, %cond3A_295 : i32
    scf.if %cond3A_296 {
      %slice3A_297 = vector.extract_strided_slice %add3A_289 {offsets = [0, 0], sizes = [1024, 32], strides = [1, 1]} : vector<1024x64xf32> to vector<1024x32xf32>
      %slice3A_298 = vector.extract_strided_slice %add3A_289 {offsets = [0, 32], sizes = [1024, 32], strides = [1, 1]} : vector<1024x64xf32> to vector<1024x32xf32>
      %add3A_299 = arith.addf %slice3A_297, %slice3A_298 : vector<1024x32xf32>
      %get3A_300 = arith.constant 0 : index
      %get3A_301 = arith.constant 0 : index
      %get3A_302 = vector.load %arg7[%get3A_300, %get3A_301] : memref<32x1xf32, #tpu.memory_space<vmem>>, vector<32x1xf32>
      %dot_general3A_303 = arith.constant dense<0.000000e+00> : vector<1024x1xf32>
      %dot_general3A_304 = tpu.matmul %add3A_299, %get3A_302, %dot_general3A_303 {dimension_numbers = #tpu.dot_dimension_numbers<[1], [0], [0], [1], [0, 0, 1, 1], [], []>, transpose_lhs_hint = false} : vector<1024x32xf32>, vector<32x1xf32>, vector<1024x1xf32> -> vector<1024x1xf32>
      %get3A_305 = arith.constant 0 : index
      %get3A_306 = arith.constant 0 : index
      %get3A_307 = vector.load %arg8[%get3A_305, %get3A_306] : memref<1x1xf32, #tpu.memory_space<vmem>>, vector<1x1xf32>
      %add3A_308 = vector.broadcast %get3A_307 : vector<1x1xf32> to vector<1024x1xf32>
      %add3A_309 = arith.addf %dot_general3A_304, %add3A_308 : vector<1024x1xf32>
      %logistic3A_310 = arith.negf %add3A_309 : vector<1024x1xf32>
      %logistic3A_311 = math.exp %logistic3A_310 : vector<1024x1xf32>
      %logistic3A_312 = arith.constant 1.000000e+00 : f32
      %logistic3A_313 = vector.broadcast %logistic3A_312 : f32 to vector<1024x1xf32>
      %logistic3A_314 = arith.addf %logistic3A_313, %logistic3A_311 : vector<1024x1xf32>
      %logistic3A_315 = arith.divf %logistic3A_313, %logistic3A_314 : vector<1024x1xf32>
      %swap3A_316 = arith.constant 0 : index
      %swap3A_317 = arith.constant 0 : index
      %swap3A_318 = vector.load %arg9[%swap3A_316, %swap3A_317] : memref<1024x1xf32, #tpu.memory_space<vmem>>, vector<1024x1xf32>
      tpu.vector_store %arg9[%swap3A_316, %swap3A_317], %logistic3A_315 {strides = array<i32>} : memref<1024x1xf32, #tpu.memory_space<vmem>>, vector<1024x1xf32>,
    } else {
    }
    return
  }
  func.func @transform_0(%arg0: i32) -> (i32, i32, i32) {
    %c0_i32 = arith.constant 0 : i32
    %c0_i32_0 = arith.constant 0 : i32
    %c0_i32_1 = arith.constant 0 : i32
    return %arg0, %c0_i32, %c0_i32_0 : i32, i32, i32
  }
  func.func @transform_1(%arg0: i32) -> (i32, i32, i32) {
    %sub3A = arith.constant 49 : i32
    %sub3A_0 = arith.subi %sub3A, %arg0 : i32
    %c0_i32 = arith.constant 0 : i32
    %c0_i32_1 = arith.constant 0 : i32
    %c0_i32_2 = arith.constant 0 : i32
    return %sub3A_0, %c0_i32, %c0_i32_1 : i32, i32, i32
  }
  func.func @transform_2(%arg0: i32) -> (i32, i32) {
    %c0_i32 = arith.constant 0 : i32
    %c0_i32_0 = arith.constant 0 : i32
    %c0_i32_1 = arith.constant 0 : i32
    return %c0_i32, %c0_i32_0 : i32, i32
  }
  func.func @transform_3(%arg0: i32) -> (i32, i32) {
    %c0_i32 = arith.constant 0 : i32
    %c0_i32_0 = arith.constant 0 : i32
    %c0_i32_1 = arith.constant 0 : i32
    return %c0_i32, %c0_i32_0 : i32, i32
  }
  func.func @transform_4(%arg0: i32) -> (i32, i32) {
    %c0_i32 = arith.constant 0 : i32
    %c0_i32_0 = arith.constant 0 : i32
    %c0_i32_1 = arith.constant 0 : i32
    return %c0_i32, %c0_i32_0 : i32, i32
  }
  func.func @transform_5(%arg0: i32) -> (i32, i32) {
    %c0_i32 = arith.constant 0 : i32
    %c0_i32_0 = arith.constant 0 : i32
    %c0_i32_1 = arith.constant 0 : i32
    return %c0_i32, %c0_i32_0 : i32, i32
  }
  func.func @transform_6(%arg0: i32) -> (i32, i32) {
    %c0_i32 = arith.constant 0 : i32
    %c0_i32_0 = arith.constant 0 : i32
    %c0_i32_1 = arith.constant 0 : i32
    return %c0_i32, %c0_i32_0 : i32, i32
  }
  func.func @transform_7(%arg0: i32) -> (i32, i32) {
    %c0_i32 = arith.constant 0 : i32
    %c0_i32_0 = arith.constant 0 : i32
    %c0_i32_1 = arith.constant 0 : i32
    return %c0_i32, %c0_i32_0 : i32, i32
  }
  func.func @transform_8(%arg0: i32) -> (i32, i32) {
    %c0_i32 = arith.constant 0 : i32
    %c0_i32_0 = arith.constant 0 : i32
    %c0_i32_1 = arith.constant 0 : i32
    return %c0_i32, %c0_i32_0 : i32, i32
  }
}

</mosaic_0001>

<sc_bundles>
// kernel: kernel.5.cloned.1.call-start
scs
__scs_entry_jumppad:
0x0: {  	(pc) =	sbr.rel $0x88, $3  }
0x1: {  	(tag) =	ssettag $0x0;
	lr =	simm.s32 $0x1  }
0x2: {  	[smem:$0x3F95] =	sst lr;
	_ =	strace $0xD0000000  }
0x3: {  	_ = 	snop  }
0x4: {  	_ = 	snop  }
0x5: {  	_ = 	snop  }
0x6: {  	_ = 	snop  }
0x7: {  	_ = 	snop  }
__scs_overlays_trampoline_lowered:
0x8: {  	[smem:$0x3FA4] =	sst s0  }
0x9: {  	[smem:$0x3FA5] =	sst s1  }
0xa: {  	[smem:$0x3FA6] =	sst s2  }
0xb: {  	[smem:$0x3FA7] =	sst s3  }
0xc: {  	[smem:$0x3FA8] =	sst s4  }
0xd: {  	[smem:$0x3FA9] =	sst s5  }
0xe: {  	[smem:$0x3FAA] =	sst s6  }
0xf: {  	[smem:$0x3FAB] =	sst s7  }
0x10: {  	[smem:$0x3FAC] =	sst s8  }
0x11: {  	[smem:$0x3FAD] =	sst s9;
	s0 =	simm.s32 @!p0 $0x0  }
0x12: {  	s1 =	sld [smem:$0x3F93];
	s0 =	simm.s32 @p0 $0x1  }
0x13: {  	[smem:$0x3FAE] =	sst s0;
	s0 =	simm.s32 @!p1 $0x0  }
0x14: {  	s2 =	sld [smem:$0x3F92];
	s0 =	simm.s32 @p1 $0x1  }
0x15: {  	[smem:$0x3FAF] =	sst s0;
	s0 =	simm.s32 @!p2 $0x0  }
0x16: {  	s3 =	sld [smem:$0x3FDB];
	s0 =	simm.s32 @p2 $0x1  }
0x17: {  	s4 =	simm.s32 $0x1BF5;
	[smem:$0x3FB1] =	sst s0  }
0x18: {  	s0 =	sld [smem:$0x3F94];
	_ =	swait.ge [sflag:s4], $0x0  }
0x19: {  	s7 =	sld [smem:$0x3F95]  }
0x1a: {  	s8 =	sadd.s32 $0xFFFFE003, lr  }
0x1b: {  	s9 =	sadd.s32 $0xFFFFFEF7, lr;
	s5 =	simm.s32 $0xFFFFFFFF;
	p2 =	slt.u32 s8, $0xFFFFF086  }
0x1c: {  	p1 =	slt.u32 s9, $0xF7A;
	s5 =	simm.s32 @!p2 $0x0  }
0x1d: {  	s5 =	simm.s32 @p1 $0x1;
	p0 =	seq.s32 s7, s2  }
0x1e: {  	s7 =	smul.u32 @!p0 $0xF7A, s2;
	p2 =	seq.s32 @!p0 s5, $0x0  }
0x1f: {  	s9 =	smul.u32 $0xF7A, s1;
	s8 =	simm.s32 @!p0 $0x1BF5;
	p2 =	por !p2, p0  }
0x20: {  	[sflag:s8] =	ssyncset.s32 @!p0 $0xFFFFF086;
	s6 =	sadd.s32 @!p0 s3, s7;
	s7 =	simm.s32 @!p0 $0x108  }
0x21: {  	s3 =	sadd.s32 s3, s9;
	s6 =	sadd.s32 @!p0 $0x88, s6;
	s7 =	simm.s32 @p2 $0x1082  }
0x22: {  	[simem:s7], [sflag:s8] =	dma.local @!p0 [hbm:s6], $0xF7A  }
0x23: {  	s9 =	sor.u32 $0xD0000000, s2;
	s6 =	simm.s32 $0x108;
	_ =	swait.ge @!p0 [sflag:s8], $0x0  }
0x24: {  	s3 =	sadd.s32 $0x88, s3;
	s6 =	simm.s32 @!p1 $0x1082;
	[sflag:s4] =	ssyncset.s32 $0xFFFFF086  }
0x25: {  	[simem:s6], [sflag:s4] =	dma.local [hbm:s3], $0xF7A  }
0x26: {  	[smem:$0x3F95] =	sst s1;
	(tag) =	ssettag s2;
	_ =	strace s9  }
0x27: {  	s1 =	sld [smem:$0x3FA5]  }
0x28: {  	s2 =	sld [smem:$0x3FA6]  }
0x29: {  	s4 =	sld [smem:$0x3FA8]  }
0x2a: {  	p0 =	seq.s32 s5, $0x0;
	s5 =	sld [smem:$0x3FA9]  }
0x2b: {  	s6 =	sld [smem:$0x3FAA]  }
0x2c: {  	s7 =	sld [smem:$0x3FAB]  }
0x2d: {  	s3 =	simm.s32 $0x108;
	s8 =	sld [smem:$0x3FAC]  }
0x2e: {  	s3 =	simm.s32 @!p0 $0x1082;
	s9 =	sld [smem:$0x3FAD]  }
0x2f: {  	lr =	sadd.s32 s0, s3;
	s0 =	sld [smem:$0x3FA4]  }
0x30: {  	s3 =	sld [smem:$0x3FA7]  }
0x31: {  	[smem:$0x3FB0] =	sst s10  }
0x32: {  	s10 =	sld [smem:$0x3FAE];
	_ =	sdelay $0x3  }
0x33: {  	p0 =	seq.s32 s10, $0x1;
	s10 =	sld [smem:$0x3FB0];
	_ =	sdelay $0x3  }
0x34: {  	[smem:$0x3FB0] =	sst s10  }
0x35: {  	s10 =	sld [smem:$0x3FAF];
	_ =	sdelay $0x3  }
0x36: {  	p1 =	seq.s32 s10, $0x1;
	s10 =	sld [smem:$0x3FB0];
	_ =	sdelay $0x3  }
0x37: {  	[smem:$0x3FB0] =	sst s10  }
0x38: {  	s10 =	sld [smem:$0x3FB1]  }
0x39: {  	_ = 	snop;
	(pc) =	sbr.ind lr, $3  }
0x3a: {  	_ = 	snop  }
0x3b: {  	_ = 	snop  }
0x3c: {  	p2 =	seq.s32 s10, $0x1;
	s10 =	sld [smem:$0x3FB0]  }
0x3d: {  	_ =	shalt  }
0x3e: {  	_ =	shalt  }
0x3f: {  	_ =	shalt  }
0x40: {  	_ =	shalt  }
0x41: {  	_ =	shalt  }
0x42: {  	_ =	shalt  }
0x43: {  	_ =	shalt  }
0x44: {  	_ =	shalt  }
0x45: {  	_ =	shalt  }
0x46: {  	_ =	shalt  }
0x47: {  	_ =	shalt  }
0x48: {  	_ =	shalt  }
0x49: {  	_ =	shalt  }
0x4a: {  	_ =	shalt  }
0x4b: {  	_ =	shalt  }
0x4c: {  	_ =	shalt  }
0x4d: {  	_ =	shalt  }
0x4e: {  	_ =	shalt  }
0x4f: {  	_ =	shalt  }
0x50: {  	_ =	shalt  }
0x51: {  	_ =	shalt  }
0x52: {  	_ =	shalt  }
0x53: {  	_ =	shalt  }
0x54: {  	_ =	shalt  }
0x55: {  	_ =	shalt  }
0x56: {  	_ =	shalt  }
0x57: {  	_ =	shalt  }
0x58: {  	_ =	shalt  }
0x59: {  	_ =	shalt  }
0x5a: {  	_ =	shalt  }
0x5b: {  	_ =	shalt  }
0x5c: {  	_ =	shalt  }
0x5d: {  	_ =	shalt  }
0x5e: {  	_ =	shalt  }
0x5f: {  	_ =	shalt  }
0x60: {  	_ =	shalt  }
0x61: {  	_ =	shalt  }
0x62: {  	_ =	shalt  }
0x63: {  	_ =	shalt  }
0x64: {  	_ =	shalt  }
0x65: {  	_ =	shalt  }
0x66: {  	_ =	shalt  }
0x67: {  	_ =	shalt  }
0x68: {  	_ =	shalt  }
0x69: {  	_ =	shalt  }
0x6a: {  	_ =	shalt  }
0x6b: {  	_ =	shalt  }
0x6c: {  	_ =	shalt  }
0x6d: {  	_ =	shalt  }
0x6e: {  	_ =	shalt  }
0x6f: {  	_ =	shalt  }
0x70: {  	_ =	shalt  }
0x71: {  	_ =	shalt  }
0x72: {  	_ =	shalt  }
0x73: {  	_ =	shalt  }
0x74: {  	_ =	shalt  }
0x75: {  	_ =	shalt  }
0x76: {  	_ =	shalt  }
0x77: {  	_ =	shalt  }
0x78: {  	_ =	shalt  }
0x79: {  	_ =	shalt  }
0x7a: {  	_ =	shalt  }
0x7b: {  	_ =	shalt  }
0x7c: {  	_ =	shalt  }
0x7d: {  	_ =	shalt  }
0x7e: {  	_ =	shalt  }
0x7f: {  	_ =	shalt  }
0x80: {  	_ =	shalt  }
0x81: {  	_ =	shalt  }
0x82: {  	_ =	shalt  }
0x83: {  	_ =	shalt  }
0x84: {  	_ =	shalt  }
0x85: {  	_ =	shalt  }
0x86: {  	_ =	shalt  }
0x87: {  	_ =	shalt  }
.Lfunc_end0:
.L_simem_size_0:
called_computation_lowered:
.L_overlay_start_0:
0x88: {  	s2 =	sld [smem:$0x3FD9]  }
0x89: {  	s3 =	sld [smem:$0x3FFE];
	_ =	sdelay $0x1  }
0x8a: {  	s1 =	srdreg.scid  }
0x8b: {  	s0 =	sand.u32 $0x1, s1  }
0x8c: {  	s16 =	sshll.u32 s0, $0xA;
	s2 =	sadd.s32 s3, s2  }
0x8d: {  	s2 =	sadd.s32 s2, s16  }
0x8e: {  	[smem:$0x3FBC] =	sst s2  }
0x8f: {  	_ = 	snop  }
0x90: {  	(tm) =	ssettm $0x1  }
0x91: {  	s17 =	sld [smem:$0x3FFB];
	_ =	sdelay $0x3  }
0x92: {  	_ =	strace s17  }
0x93: {  	s2 =	sld [smem:$0x3FFC];
	_ =	sdelay $0x3  }
0x94: {  	_ =	strace s2  }
0x95: {  	s2 =	sld [smem:$0x3FFD];
	_ =	sdelay $0x3  }
0x96: {  	_ =	strace s2  }
0x97: {  	_ =	strace $0x8FFFFFFF  }
0x98: {  	s18 =	sld [smem:$0x3FDB];
	_ =	sdelay $0x1  }
0x99: {  	s19 =	simm.s32 $_scs_section_size  }
0x9a: {  	s4 =	simm.s32 $_size__tile_overlayer_lowered;
	s5 =	simm.s32 $_tile_overlayer_lowered  }
0x9b: {  	s22 =	simm.s32 $0x1BFF;
	s21 =	sshll.u32 s5, $0x1;
	s2 =	sadd.s32 s19, s18  }
0x9c: {  	s6 =	simm.s32 $0x0;
	s20 =	sshll.u32 s4, $0x1;
	s4 =	sadd.s32 s21, s2  }
0x9d: {  	[timem:s6], [sflag:s22] =	dma.local [hbm:s4], s20  }
0x9e: {  	_ =	swait.ge [sflag:s22], s20  }
0x9f: {  	s3 =	ssub.s32 $0x0, s20;
	[sflag:s22] =	ssyncset.done $0x0  }
0xa0: {  	[sflag:s22] =	ssyncadd.s32 s3;
	_ =	sdelay $0x1  }
0xa1: {  	s23 =	simm.s32 $0x1B8B  }
0xa2: {  	_ =	swait.ge [sflag:s23], $0x1  }
0xa3: {  	[sflag:s23] =	ssyncset.done $0x0  }
0xa4: {  	s25 =	simm.s32 $0x1B8E;
	s24 =	sld [smem:$0x3FFE];
	[sflag:s23] =	ssyncadd.s32 $0xFFFFFFFF  }
0xa5: {  	s26 =	simm.s32 $execute0_lowered;
	[smem:$0x3FD2] =	sst s25  }
0xa6: {  	s4 =	sshll.u32 s26, $0x1;
	_ =	strace $0x80000046;
	[dreg:$0x1] =	wrdreg $0xFFFFFFFF  }
0xa7: {  	s28 =	simm.s32 $_size_execute0_lowered;
	s2 =	sadd.s32 s2, s4;
	[dreg:$0x0] =	wrdreg $0x0  }
0xa8: {  	s4 =	sshll.u32 s28, $0x1;
	[dreg:$0x2] =	wrdreg s2  }
0xa9: {  	[dreg:$0x3] =	wrdreg s4  }
0xaa: {  	[dreg:$0x4] =	wrdreg $0xC0  }
0xab: {  	_ =	task [dreg:s6], $0x5FFFF  }
0xac: {  	[dreg:$0x1] =	wrdreg $0xFFFFFFFF  }
0xad: {  	[dreg:$0x0] =	wrdreg $0x60  }
0xae: {  	[dreg:$0x2] =	wrdreg s24  }
0xaf: {  	[dreg:$0x3] =	wrdreg $0x9  }
0xb0: {  	_ =	task.clear_ibuf [dreg:s6], $0x4FFFF;
	_ =	strace $0x90000046  }
0xb1: {  	s29 =	simm.s32 $0x9;
	_ =	strace $0x80000048  }
0xb2: {  	_ =	swait.ge [sflag:s29], $0x1  }
0xb3: {  	[sflag:s29] =	ssyncadd.s32 $0xFFFFFFFF  }
0xb4: {  	_ =	strace $0x90000048  }
0xb5: {  	_ =	sfence  }
0xb6: {  	s30 =	sld [smem:$0x0];
	_ =	sdelay $0x2  }
0xb7: {  	s31 =	sshll.u32 s1, $0xD;
	s1 =	sshrl.u32 s1, $0x2  }
0xb8: {  	s3 =	sand.u32 $0x4000, s31;
	s1 =	sadd.s32 s1, s30  }
0xb9: {  	s0 =	sor.u32 s3, s0;
	s1 =	sshll.u32 s1, $0x11  }
0xba: {  	s0 =	sor.u32 s1, s0  }
0xbb: {  	s0 =	sadd.s32 $0x8F2B, s0  }
0xbc: {  	[sflag:s0] =	ssyncadd.remote.s32 $0x1  }
0xbd: {  	_ =	sfence.sel $0xFFFF  }
0xbe: {  	[dreg:$0x0] =	wrdreg $0xFFFFFFFF;
	(pc) =	sbr.abs _section_cstart, $3  }
0xbf: {  	[dreg:$0x1] =	wrdreg $0xFFFFFFFF  }
0xc0: {  	_ =	task.clear_ibuf [dreg:s6], $0x2FFFF;
	_ =	strace $0x9FFFFFFF  }
0xc1: {  	(tm) =	ssettm $0x7FFFFFFF  }
tec
execute0_lowered:
.L_overlay_start_1:
0x0: {  	(tag) =	ssettag $0x1  }
0x1: {  	s1 =	srdreg.scid;
	s0 =	stileid.u32  }
0x2: {  	s4 =	rddreg [dreg:$0x0];
	s2 =	simm.s32 $0x0;
	s11 =	simm.s32 $0x1E00  }
0x3: {  	s12 =	simm.s32 $0x1;
	s13 =	simm.s32 $0xBE00;
	s14 =	simm.s32 $0x2  }
0x4: {  	s15 =	simm.s32 $0x1C80;
	s6 =	sand.u32 $0x1, s1;
	s1 =	rddreg [dreg:$0x1]  }
0x5: {  	s16 =	simm.s32 $0x0;
	s3 =	sshll.u32 s0, $0x1;
	[smem:$0x7FF] =	sst s2  }
0x6: {  	s9 =	sadd.s32 $0x441000, s4;
	s29 =	smul.u32 $0x32000, s0;
	s5 =	sor.u32 s6, s3  }
0x7: {  	_ =	strace $0x80000047;
	s8 =	ssub.s32 $0x2, s6;
	s7 =	smul.u32 $0x3C0, s5  }
0x8: {  	s3 =	sadd.s32 $0x2BA600, s4;
	s26 =	sshrl.u32 s8, $0x1;
	s10 =	smul.u32 $0x19000, s5  }
0x9: {  	s31 =	smul.u32 $0x19000, s6;
	s28 =	ssub.s32 s8, s26;
	s8 =	sadd.s32 s29, s9  }
0xa: {  	s7 =	sadd.s32 s7, s4;
	s5 =	smax.u32 s28, $0x1;
	s30 =	sadd.s32 s9, s10  }
0xb: {  	s8 =	sadd.s32 s31, s8;
	s9 =	simm.s32 $0x3;
	s10 =	simm.s32 $0x140  }
0xc: {  	s4 =	sadd.s32 $0x2400, s7;
	s6 =	sadd.s32 $0x16800, s30;
	s7 =	sadd.s32 $0x17C00, s30  }
.LBB2_1:
0xd: {  	[tilespmem:s2], [sflag:$0x3] =	stream.linear.gather [hbm4b:s4+s2], $0x1E00, $0x38;
	[tilespmem:$0x15E00] =	vst v63  }
0xe: {  	_ =	swait.ge [sflag:s9], $0x1E00  }
0xf: {  	[sflag:s9] =	ssyncset.done $0x0  }
0x10: {  	[sflag:s9] =	ssyncadd.s32 $0xFFFFE200  }
0x11: {  	[tilespmem:s11], [sflag:$0x1] =	stream.indirect.gather [hbm4b:s3+s10], $0x80, s2, s10, $0xb8;
	[tilespmem:$0x15E00] =	vst v63  }
0x12: {  	_ =	swait.ge [sflag:s12], $0xA000  }
0x13: {  	[sflag:s12] =	ssyncset.done $0x0  }
0x14: {  	s17 =	simm.s32 $0x180;
	[sflag:s12] =	ssyncadd.s32 $0xFFFF6000  }
0x15: {  	[tilespmem:s13], [sflag:$0x2] =	stream.indirect.gather [hbm4b:s3+s10], $0x80, s17, s10, $0xb8;
	[tilespmem:$0x15E00] =	vst v63  }
0x16: {  	s18 =	sadd.s32 $0x0, s8  }
0x17: {  	[hbm4b:s18+s2] =	stream.linear.scatter [tilespmem:s11], [sflag:$0x3], $0xA000, $0x38;
	[tilespmem:$0x15E00] =	vst v63  }
0x18: {  	_ =	swait.ge [sflag:s9], $0xA000  }
0x19: {  	[sflag:s9] =	ssyncset.done $0x0  }
0x1a: {  	[sflag:s9] =	ssyncadd.s32 $0xFFFF6000  }
0x1b: {  	_ =	swait.ge [sflag:s14], $0xA000  }
0x1c: {  	[sflag:s14] =	ssyncset.done $0x0  }
0x1d: {  	s19 =	simm.s32 $0x300;
	[sflag:s14] =	ssyncadd.s32 $0xFFFF6000  }
0x1e: {  	[tilespmem:s11], [sflag:$0x1] =	stream.indirect.gather [hbm4b:s3+s10], $0x80, s19, s10, $0xb8;
	[tilespmem:$0x15E00] =	vst v63  }
0x1f: {  	s18 =	sadd.s32 $0x1400, s18  }
0x20: {  	[hbm4b:s18+s2] =	stream.linear.scatter [tilespmem:s13], [sflag:$0x3], $0xA000, $0x38;
	[tilespmem:$0x15E00] =	vst v63  }
0x21: {  	_ =	swait.ge [sflag:s9], $0xA000  }
0x22: {  	s18 =	simm.s32 $0x2800;
	[sflag:s9] =	ssyncset.done $0x0  }
.LBB2_2:
0x23: {  	p0 =	sne.s32 s18, $0x14000;
	[sflag:s9] =	ssyncadd.s32 $0xFFFF6000;
	s17 =	sadd.s32 $0x300, s17  }
0x24: {  	s19 =	smov.u32 s18;
	s18 =	sadd.s32 $0x2800, s18  }
0x25: {  	_ =	swait.ge [sflag:s12], $0xA000  }
0x26: {  	[sflag:s12] =	ssyncset.done $0x0  }
0x27: {  	[sflag:s12] =	ssyncadd.s32 $0xFFFF6000  }
0x28: {  	[tilespmem:s13], [sflag:$0x2] =	stream.indirect.gather [hbm4b:s3+s10], $0x80, s17, s10, $0xb8;
	[tilespmem:$0x15E00] =	vst v63  }
0x29: {  	s19 =	sadd.s32 s19, s8  }
0x2a: {  	[hbm4b:s19+s2] =	stream.linear.scatter [tilespmem:s11], [sflag:$0x3], $0xA000, $0x38;
	[tilespmem:$0x15E00] =	vst v63  }
0x2b: {  	_ =	swait.ge [sflag:s9], $0xA000  }
0x2c: {  	[sflag:s9] =	ssyncset.done $0x0  }
0x2d: {  	[sflag:s9] =	ssyncadd.s32 $0xFFFF6000  }
0x2e: {  	_ =	swait.ge [sflag:s14], $0xA000  }
0x2f: {  	[sflag:s14] =	ssyncset.done $0x0  }
0x30: {  	s20 =	sadd.s32 $0x180, s17;
	[sflag:s14] =	ssyncadd.s32 $0xFFFF6000  }
0x31: {  	[tilespmem:s11], [sflag:$0x1] =	stream.indirect.gather [hbm4b:s3+s10], $0x80, s20, s10, $0xb8;
	[tilespmem:$0x15E00] =	vst v63  }
.Ltmp0:
0x32: {  	_ = 	snop;
	(pc) =	sbr.rel @p0 .LBB2_2-.Ltmp0, $4  }
0x33: {  	s19 =	sadd.s32 $0x1400, s19  }
0x34: {  	[hbm4b:s19+s2] =	stream.linear.scatter [tilespmem:s13], [sflag:$0x3], $0xA000, $0x38;
	[tilespmem:$0x15E00] =	vst v63  }
0x35: {  	_ =	swait.ge [sflag:s9], $0xA000  }
0x36: {  	[sflag:s9] =	ssyncset.done $0x0  }
0x37: {  	[sflag:s9] =	ssyncadd.s32 $0xFFFF6000  }
0x38: {  	_ =	swait.ge [sflag:s12], $0xA000  }
0x39: {  	[sflag:s12] =	ssyncset.done $0x0  }
0x3a: {  	[sflag:s12] =	ssyncadd.s32 $0xFFFF6000  }
0x3b: {  	[tilespmem:s13], [sflag:$0x2] =	stream.indirect.gather [hbm4b:s3+s10], $0x80, s15, s10, $0xb8;
	[tilespmem:$0x15E00] =	vst v63  }
0x3c: {  	_ = 	snop  }
0x3d: {  	[hbm4b:s6+s2] =	stream.linear.scatter [tilespmem:s11], [sflag:$0x3], $0xA000, $0x38;
	[tilespmem:$0x15E00] =	vst v63  }
0x3e: {  	_ =	swait.ge [sflag:s9], $0xA000  }
0x3f: {  	[sflag:s9] =	ssyncset.done $0x0  }
0x40: {  	[sflag:s9] =	ssyncadd.s32 $0xFFFF6000  }
0x41: {  	s16 =	sadd.s32 $0x1, s16;
	_ =	swait.ge [sflag:s14], $0xA000  }
0x42: {  	p0 =	sne.s32 s16, s5;
	[sflag:s14] =	ssyncset.done $0x0  }
.Ltmp1:
0x43: {  	[sflag:s14] =	ssyncadd.s32 $0xFFFF6000;
	(pc) =	sbr.rel @p0 .LBB2_1-.Ltmp1, $4  }
0x44: {  	[hbm4b:s7+s2] =	stream.linear.scatter [tilespmem:s13], [sflag:$0x3], $0xA000, $0x38;
	[tilespmem:$0x15E00] =	vst v63  }
0x45: {  	_ =	swait.ge [sflag:s9], $0xA000  }
0x46: {  	[sflag:s9] =	ssyncset.done $0x0  }
0x47: {  	[sflag:s9] =	ssyncadd.s32 $0xFFFF6000  }
0x48: {  	_ =	sfence.sel $0x180000  }
0x49: {  	[bflag:$0x0] =	sbarrier.arrive $0xFFFF  }
0x4a: {  	p0 =	sne.s32 s0, $0x0;
	_ =	strace $0x90000047  }
0x4b: {  	s0 =	sadd.s32 @!p0 $0x100000, s1;
	[bflag:$0x2] =	sbarrier.arrive $0xFFFF  }
0x4c: {  	[sflag:s0] =	ssyncadd.tile.s32 @!p0 $0x1;
	_ =	shalt  }
.Lfunc_end2:
_tile_overlayer_lowered:
.L_overlay_start_2:
0x4d: {  	(tag) =	ssettag $0x2  }
0x4e: {  	s0 =	rddreg [dreg:$0x0];
	s2 =	stileid.u32  }
0x4f: {  	s1 =	rddreg [dreg:$0x1];
	p0 =	sne.s32 s2, $0x0  }
0x50: {  	s3 =	rddreg [dreg:$0x2];
	[bflag:$0x3] =	sbarrier.arrive $0xFFFF;
	s2 =	simm.s32 @!p0 $0x1C03  }
0x51: {  	[timem:s3], [sflag:s2] =	dma.local @!p0 [hbm:s0], s1  }
0x52: {  	s0 =	simm.s32 @!p0 $0x3  }
0x53: {  	_ =	swait.ge @!p0 [sflag:s0], s1  }
0x54: {  	s1 =	ssub.s32 @!p0 $0x0, s1;
	[sflag:s0] =	ssyncset.done @!p0 $0x0  }
0x55: {  	[sflag:s0] =	ssyncadd.s32 @!p0 s1  }
0x56: {  	[bflag:$0x3] =	sbarrier.arrive $0xFFFF  }
0x57: {  	_ =	shalt  }

</sc_bundles>
